<compile_context>
chip_gen: v7x
topology: tpu7x:2x2x1
jax: 0.10.2.dev20260603
libtpu: 0.0.44.dev20260713+nightly
codegen_flags: <defaults>
</compile_context>

<pallas_src>
import jax
import jax.numpy as jnp
from jax import lax
from jax.experimental import pallas as pl
from jax.experimental.pallas import tpu as pltpu
from jax.experimental.pallas import tpu_sc as plsc

NUM_GRIDS = 17
HEIGHT = 64
WIDTH = 64
D4 = 256
D_MODEL = 4 * D4
NUM_WORKERS = 32
NUM_SLICES = NUM_GRIDS * HEIGHT
SLICES_PER_WORKER = NUM_SLICES // NUM_WORKERS
LANES = 16


def _fill_rows(buf, vecs):
    def body(w, carry):
        for j, v in enumerate(vecs):
            buf[w, pl.ds(LANES * j, LANES)] = v
        return carry
    lax.fori_loop(0, WIDTH, body, 0)


def _row_vecs(stage, r, n):
    return [stage[r, pl.ds(LANES * j, LANES)] for j in range(n)]


def _sc_body(row_hbm, col_hbm, io_hbm, pair_hbm, out_hbm,
             row_stage, gp_stage, row_buf0, row_buf1, gp_buf, col_tmpl,
             sem_r0, sem_r1, sem_gp, sem_col, sem_s):
    cid = lax.axis_index("c")
    sid = lax.axis_index("s")
    wid = sid * 2 + cid
    s0 = wid * SLICES_PER_WORKER
    s_end = s0 + SLICES_PER_WORKER
    g0 = s0 // HEIGHT
    g1 = jnp.minimum(g0 + 1, NUM_GRIDS - 1)
    b = jnp.minimum(s_end, (g0 + 1) * HEIGHT)

    @pl.when(sid == 0)
    def _():
        pltpu.sync_copy(col_hbm.at[pl.ds(0, WIDTH), :], col_tmpl)

    cps = [
        pltpu.make_async_copy(row_hbm.at[pl.ds(0, HEIGHT), :], row_stage, sem_s),
        pltpu.make_async_copy(io_hbm.at[g0 % 2, :], gp_stage.at[0, pl.ds(0, D4)],
                              sem_s),
        pltpu.make_async_copy(pair_hbm.at[g0 // 2, :],
                              gp_stage.at[0, pl.ds(D4, D4)], sem_s),
        pltpu.make_async_copy(io_hbm.at[g1 % 2, :], gp_stage.at[1, pl.ds(0, D4)],
                              sem_s),
        pltpu.make_async_copy(pair_hbm.at[g1 // 2, :],
                              gp_stage.at[1, pl.ds(D4, D4)], sem_s),
    ]
    for cp in cps:
        cp.start()
    for cp in cps:
        cp.wait()

    _fill_rows(gp_buf, _row_vecs(gp_stage, 0, 2 * D4 // LANES))

    plsc.subcore_barrier()

    def gp_copy(s):
        return pltpu.make_async_copy(
            gp_buf, out_hbm.at[pl.ds(s * WIDTH, WIDTH), pl.ds(2 * D4, 2 * D4)],
            sem_gp)

    def col_copy(s):
        return pltpu.make_async_copy(
            col_tmpl, out_hbm.at[pl.ds(s * WIDTH, WIDTH), pl.ds(D4, D4)],
            sem_col)

    def row_copy(s, buf, sem):
        return pltpu.make_async_copy(
            buf, out_hbm.at[pl.ds(s * WIDTH, WIDTH), pl.ds(0, D4)], sem)

    def pair_body(i, carry):
        s_a = s0 + 2 * i
        for (s, rbuf, rsem) in ((s_a, row_buf0, sem_r0),
                                (s_a + 1, row_buf1, sem_r1)):
            @pl.when(s > s0)
            def _():
                gp_copy(s).wait()

            @pl.when(s == b)
            def _():
                _fill_rows(gp_buf, _row_vecs(gp_stage, 1, 2 * D4 // LANES))

            gp_copy(s).start()

            @pl.when(s > s0)
            def _():
                col_copy(s).wait()

            col_copy(s).start()

            @pl.when(s > s0 + 1)
            def _():
                row_copy(s, rbuf, rsem).wait()

            _fill_rows(rbuf, _row_vecs(row_stage, s % HEIGHT, D4 // LANES))
            row_copy(s, rbuf, rsem).start()
        return carry

    lax.fori_loop(0, SLICES_PER_WORKER // 2, pair_body, 0)

    gp_copy(s_end - 1).wait()
    col_copy(s_end - 1).wait()
    row_copy(s_end - 2, row_buf0, sem_r0).wait()
    row_copy(s_end - 1, row_buf1, sem_r1).wait()


def kernel(x, row_table, col_table, io_table, pair_table):
    _, num_grids, height, width, d_model = x.shape
    mesh = plsc.VectorSubcoreMesh(core_axis_name="c", subcore_axis_name="s")
    sc = pl.kernel(
        _sc_body,
        out_type=jax.ShapeDtypeStruct((NUM_SLICES * WIDTH, D_MODEL), jnp.float32),
        mesh=mesh,
        scratch_types=[
            pltpu.VMEM((HEIGHT, D4), jnp.float32),
            pltpu.VMEM((2, 2 * D4), jnp.float32),
            pltpu.VMEM((WIDTH, D4), jnp.float32),
            pltpu.VMEM((WIDTH, D4), jnp.float32),
            pltpu.VMEM((WIDTH, 2 * D4), jnp.float32),
            pltpu.VMEM_SHARED((WIDTH, D4), jnp.float32),
            pltpu.SemaphoreType.DMA,
            pltpu.SemaphoreType.DMA,
            pltpu.SemaphoreType.DMA,
            pltpu.SemaphoreType.DMA,
            pltpu.SemaphoreType.DMA,
        ],
    )
    out = sc(row_table, col_table, io_table, pair_table)
    return out.reshape(num_grids, height, width, d_model)

# --- scband reference (transcript-rebuilt; emitter-appended) ---
"""Pipeline reference for scband-arcpositional-encoding-8650064134518 (READ-ONLY COPY).

The authoritative reference and input builder live on the scoring server;
editing this copy changes nothing except your own understanding.
"""

import jax, jax.numpy as jnp
import numpy as np

D_MODEL = 1024
GRID_DIM = 128
NUM_TRAIN_PAIRS = 8
NUM_GRIDS = 17
HEIGHT = 64
WIDTH = 64


def setup_inputs(seed: int = 0) -> dict:
    key = jax.random.key(seed)
    k1, k2, k3, k4, k5 = jax.random.split(key, 5)
    d4 = D_MODEL // 4
    x = jax.random.normal(k1, (1, NUM_GRIDS, HEIGHT, WIDTH, D_MODEL), dtype=jnp.float32)
    row_table = jax.random.normal(k2, (GRID_DIM, d4), dtype=jnp.float32)
    col_table = jax.random.normal(k3, (GRID_DIM, d4), dtype=jnp.float32)
    io_table = jax.random.normal(k4, (2, d4), dtype=jnp.float32)
    pair_table = jax.random.normal(k5, (NUM_TRAIN_PAIRS + 1, d4), dtype=jnp.float32)
    return {"x": x, "row_table": row_table, "col_table": col_table, "io_table": io_table, "pair_table": pair_table}


def reference(x, row_table, col_table, io_table, pair_table):
    _, num_grids, height, width, _ = x.shape
    d4 = row_table.shape[1]
    num_train_pairs = pair_table.shape[0] - 1

    row_pos = jnp.arange(height)
    row_emb = jnp.broadcast_to(row_table[row_pos][None, :, None, :], (num_grids, height, width, d4))

    col_pos = jnp.arange(width)
    col_emb = jnp.broadcast_to(col_table[col_pos][None, None, :, :], (num_grids, height, width, d4))

    grid_indices = jnp.arange(num_grids)
    is_output = (grid_indices % 2 == 1).astype(jnp.int32)
    io_emb = jnp.broadcast_to(io_table[is_output][:, None, None, :], (num_grids, height, width, d4))

    pair_indices = grid_indices // 2
    pair_indices = pair_indices.at[-1].set(num_train_pairs)
    pair_emb = jnp.broadcast_to(pair_table[pair_indices][:, None, None, :], (num_grids, height, width, d4))

    combined_emb = jnp.concatenate([row_emb, col_emb, io_emb, pair_emb], axis=-1)
    return combined_emb

if __name__ == "__main__":
    import jax
    _d = setup_inputs()
    print(jax.jit(kernel)(*tuple(_d.values())))

</pallas_src>

<mosaic_0001>
#map = affine_map<(d0, d1) -> (0, 0)>
module attributes {stable_mosaic.version = 14 : i64} {
  func.func @_sc_body(%arg0: i32, %arg1: i32, %arg2: memref<128x256xf32, #tpu.memory_space<hbm>>, %arg3: memref<128x256xf32, #tpu.memory_space<hbm>>, %arg4: memref<2x256xf32, #tpu.memory_space<hbm>>, %arg5: memref<9x256xf32, #tpu.memory_space<hbm>>, %arg6: memref<69632x1024xf32, #tpu.memory_space<hbm>>, %arg7: memref<64x256xf32, #tpu.memory_space<vmem>>, %arg8: memref<2x512xf32, #tpu.memory_space<vmem>>, %arg9: memref<64x256xf32, #tpu.memory_space<vmem>>, %arg10: memref<64x256xf32, #tpu.memory_space<vmem>>, %arg11: memref<64x512xf32, #tpu.memory_space<vmem>>, %arg12: memref<64x256xf32, #tpu.memory_space<vmem_shared>>, %arg13: memref<!tpu.dma_semaphore, #tpu.memory_space<semaphore_mem>>, %arg14: memref<!tpu.dma_semaphore, #tpu.memory_space<semaphore_mem>>, %arg15: memref<!tpu.dma_semaphore, #tpu.memory_space<semaphore_mem>>, %arg16: memref<!tpu.dma_semaphore, #tpu.memory_space<semaphore_mem>>, %arg17: memref<!tpu.dma_semaphore, #tpu.memory_space<semaphore_mem>>) attributes {dimension_semantics = [#tpu.dimension_semantics<core_parallel>, #tpu.dimension_semantics<subcore_parallel>], iteration_bounds = array<i64: 2, 16>, scalar_prefetch = 0 : i64, scratch_operands = 11 : i64, tpu.core_type = #tpu.core_type<sc_vector_subcore>, window_params = [{transform_indices = #map}, {transform_indices = #map}, {transform_indices = #map}, {transform_indices = #map}, {transform_indices = #map}]} {
    %mul3A = arith.constant 2 : i32
    %mul3A_0 = arith.muli %arg1, %mul3A : i32
    %add3A = arith.addi %mul3A_0, %arg0 : i32
    %mul3A_1 = arith.constant 34 : i32
    %mul3A_2 = arith.muli %add3A, %mul3A_1 : i32
    %add3A_3 = arith.constant 34 : i32
    %add3A_4 = arith.addi %mul3A_2, %add3A_3 : i32
    %jit3A = arith.constant 64 : i32
    %div3A = arith.divsi %mul3A_2, %jit3A : i32
    %sign3A = arith.constant 0 : i32
    %sign3A_5 = arith.cmpi sgt, %mul3A_2, %sign3A : i32
    %sign3A_6 = arith.extui %sign3A_5 : i1 to i32
    %sign3A_7 = arith.constant 0 : i32
    %sign3A_8 = arith.cmpi slt, %mul3A_2, %sign3A_7 : i32
    %sign3A_9 = arith.extui %sign3A_8 : i1 to i32
    %sign3A_10 = arith.subi %sign3A_6, %sign3A_9 : i32
    %sign3A_11 = arith.constant 0 : i32
    %sign3A_12 = arith.cmpi sgt, %jit3A, %sign3A_11 : i32
    %sign3A_13 = arith.extui %sign3A_12 : i1 to i32
    %sign3A_14 = arith.constant 0 : i32
    %sign3A_15 = arith.cmpi slt, %jit3A, %sign3A_14 : i32
    %sign3A_16 = arith.extui %sign3A_15 : i1 to i32
    %sign3A_17 = arith.subi %sign3A_13, %sign3A_16 : i32
    %ne3A = arith.cmpi ne, %sign3A_10, %sign3A_17 : i32
    %rem3A = arith.remsi %mul3A_2, %jit3A : i32
    %ne3A_18 = arith.constant 0 : i32
    %ne3A_19 = arith.cmpi ne, %rem3A, %ne3A_18 : i32
    %and3A = arith.andi %ne3A, %ne3A_19 : i1
    %sub3A = arith.constant 1 : i32
    %sub3A_20 = arith.subi %div3A, %sub3A : i32
    %select_n3A = arith.select %and3A, %sub3A_20, %div3A : i32
    %add3A_21 = arith.constant 1 : i32
    %add3A_22 = arith.addi %select_n3A, %add3A_21 : i32
    %min3A = arith.constant 16 : i32
    %min3A_23 = arith.minsi %add3A_22, %min3A : i32
    %add3A_24 = arith.constant 1 : i32
    %add3A_25 = arith.addi %select_n3A, %add3A_24 : i32
    %mul3A_26 = arith.constant 64 : i32
    %mul3A_27 = arith.muli %add3A_25, %mul3A_26 : i32
    %min3A_28 = arith.minsi %add3A_4, %mul3A_27 : i32
    %eq3A = arith.constant 0 : i32
    %eq3A_29 = arith.cmpi eq, %arg1, %eq3A : i32
    %convert_element_type3A = arith.extui %eq3A_29 : i1 to i32
    %cond3A = arith.constant 0 : i32
    %cond3A_30 = arith.cmpi ne, %convert_element_type3A, %cond3A : i32
    scf.if %cond3A_30 {
      "tpu.region"() ({
        %run_scoped3A = tpu.sem_alloc : memref<!tpu.dma_semaphore, #tpu.memory_space<semaphore_mem>>
        %dma_start3A_424 = arith.constant 0 : i32
        %dma_start3A_425 = arith.constant 0 : i32
        %dma_start3A_426 = tpu.memref_slice %arg3[%dma_start3A_424, %dma_start3A_425] : memref<128x256xf32, #tpu.memory_space<hbm>> -> memref<64x256xf32, #tpu.memory_space<hbm>>
        tpu.enqueue_dma source(%dma_start3A_426 : memref<64x256xf32, #tpu.memory_space<hbm>>) target(%arg12 : memref<64x256xf32, #tpu.memory_space<vmem_shared>>) target_semaphore(%run_scoped3A : memref<!tpu.dma_semaphore, #tpu.memory_space<semaphore_mem>>)
        %dma_wait3A_427 = arith.constant 0 : i32
        %dma_wait3A_428 = arith.constant 0 : i32
        %dma_wait3A_429 = tpu.memref_slice %arg3[%dma_wait3A_427, %dma_wait3A_428] : memref<128x256xf32, #tpu.memory_space<hbm>> -> memref<64x256xf32, #tpu.memory_space<hbm>>
        tpu.wait_dma2 semaphore(%run_scoped3A : memref<!tpu.dma_semaphore, #tpu.memory_space<semaphore_mem>>) src(%dma_wait3A_429 : memref<64x256xf32, #tpu.memory_space<hbm>>) dst(%arg12 : memref<64x256xf32, #tpu.memory_space<vmem_shared>>)
        tpu.yield
      }) : () -> ()
    } else {
    }
    %jit3A_31 = arith.constant 2 : i32
    %eq3A_32 = arith.constant 0 : i32
    %eq3A_33 = arith.cmpi eq, %jit3A_31, %eq3A_32 : i32
    %jit3A_34 = arith.constant 1 : i32
    %select_n3A_35 = arith.select %eq3A_33, %jit3A_34, %jit3A_31 : i32
    %rem3A_36 = arith.remsi %select_n3A, %select_n3A_35 : i32
    %ne3A_37 = arith.constant 0 : i32
    %ne3A_38 = arith.cmpi ne, %rem3A_36, %ne3A_37 : i32
    %lt3A = arith.constant 0 : i32
    %lt3A_39 = arith.cmpi slt, %rem3A_36, %lt3A : i32
    %lt3A_40 = arith.constant 0 : i32
    %lt3A_41 = arith.cmpi slt, %select_n3A_35, %lt3A_40 : i32
    %ne3A_42 = arith.xori %lt3A_39, %lt3A_41 : i1
    %and3A_43 = arith.andi %ne3A_42, %ne3A_38 : i1
    %add3A_44 = arith.addi %rem3A_36, %select_n3A_35 : i32
    %select_n3A_45 = arith.select %and3A_43, %add3A_44, %rem3A_36 : i32
    %jit3A_46 = arith.constant 2 : i32
    %div3A_47 = arith.divsi %select_n3A, %jit3A_46 : i32
    %sign3A_48 = arith.constant 0 : i32
    %sign3A_49 = arith.cmpi sgt, %select_n3A, %sign3A_48 : i32
    %sign3A_50 = arith.extui %sign3A_49 : i1 to i32
    %sign3A_51 = arith.constant 0 : i32
    %sign3A_52 = arith.cmpi slt, %select_n3A, %sign3A_51 : i32
    %sign3A_53 = arith.extui %sign3A_52 : i1 to i32
    %sign3A_54 = arith.subi %sign3A_50, %sign3A_53 : i32
    %sign3A_55 = arith.constant 0 : i32
    %sign3A_56 = arith.cmpi sgt, %jit3A_46, %sign3A_55 : i32
    %sign3A_57 = arith.extui %sign3A_56 : i1 to i32
    %sign3A_58 = arith.constant 0 : i32
    %sign3A_59 = arith.cmpi slt, %jit3A_46, %sign3A_58 : i32
    %sign3A_60 = arith.extui %sign3A_59 : i1 to i32
    %sign3A_61 = arith.subi %sign3A_57, %sign3A_60 : i32
    %ne3A_62 = arith.cmpi ne, %sign3A_54, %sign3A_61 : i32
    %rem3A_63 = arith.remsi %select_n3A, %jit3A_46 : i32
    %ne3A_64 = arith.constant 0 : i32
    %ne3A_65 = arith.cmpi ne, %rem3A_63, %ne3A_64 : i32
    %and3A_66 = arith.andi %ne3A_62, %ne3A_65 : i1
    %sub3A_67 = arith.constant 1 : i32
    %sub3A_68 = arith.subi %div3A_47, %sub3A_67 : i32
    %select_n3A_69 = arith.select %and3A_66, %sub3A_68, %div3A_47 : i32
    %jit3A_70 = arith.constant 2 : i32
    %eq3A_71 = arith.constant 0 : i32
    %eq3A_72 = arith.cmpi eq, %jit3A_70, %eq3A_71 : i32
    %jit3A_73 = arith.constant 1 : i32
    %select_n3A_74 = arith.select %eq3A_72, %jit3A_73, %jit3A_70 : i32
    %rem3A_75 = arith.remsi %min3A_23, %select_n3A_74 : i32
    %ne3A_76 = arith.constant 0 : i32
    %ne3A_77 = arith.cmpi ne, %rem3A_75, %ne3A_76 : i32
    %lt3A_78 = arith.constant 0 : i32
    %lt3A_79 = arith.cmpi slt, %rem3A_75, %lt3A_78 : i32
    %lt3A_80 = arith.constant 0 : i32
    %lt3A_81 = arith.cmpi slt, %select_n3A_74, %lt3A_80 : i32
    %ne3A_82 = arith.xori %lt3A_79, %lt3A_81 : i1
    %and3A_83 = arith.andi %ne3A_82, %ne3A_77 : i1
    %add3A_84 = arith.addi %rem3A_75, %select_n3A_74 : i32
    %select_n3A_85 = arith.select %and3A_83, %add3A_84, %rem3A_75 : i32
    %jit3A_86 = arith.constant 2 : i32
    %div3A_87 = arith.divsi %min3A_23, %jit3A_86 : i32
    %sign3A_88 = arith.constant 0 : i32
    %sign3A_89 = arith.cmpi sgt, %min3A_23, %sign3A_88 : i32
    %sign3A_90 = arith.extui %sign3A_89 : i1 to i32
    %sign3A_91 = arith.constant 0 : i32
    %sign3A_92 = arith.cmpi slt, %min3A_23, %sign3A_91 : i32
    %sign3A_93 = arith.extui %sign3A_92 : i1 to i32
    %sign3A_94 = arith.subi %sign3A_90, %sign3A_93 : i32
    %sign3A_95 = arith.constant 0 : i32
    %sign3A_96 = arith.cmpi sgt, %jit3A_86, %sign3A_95 : i32
    %sign3A_97 = arith.extui %sign3A_96 : i1 to i32
    %sign3A_98 = arith.constant 0 : i32
    %sign3A_99 = arith.cmpi slt, %jit3A_86, %sign3A_98 : i32
    %sign3A_100 = arith.extui %sign3A_99 : i1 to i32
    %sign3A_101 = arith.subi %sign3A_97, %sign3A_100 : i32
    %ne3A_102 = arith.cmpi ne, %sign3A_94, %sign3A_101 : i32
    %rem3A_103 = arith.remsi %min3A_23, %jit3A_86 : i32
    %ne3A_104 = arith.constant 0 : i32
    %ne3A_105 = arith.cmpi ne, %rem3A_103, %ne3A_104 : i32
    %and3A_106 = arith.andi %ne3A_102, %ne3A_105 : i1
    %sub3A_107 = arith.constant 1 : i32
    %sub3A_108 = arith.subi %div3A_87, %sub3A_107 : i32
    %select_n3A_109 = arith.select %and3A_106, %sub3A_108, %div3A_87 : i32
    %dma_start3A = arith.constant 0 : i32
    %dma_start3A_110 = arith.constant 0 : i32
    %dma_start3A_111 = tpu.memref_slice %arg2[%dma_start3A, %dma_start3A_110] : memref<128x256xf32, #tpu.memory_space<hbm>> -> memref<64x256xf32, #tpu.memory_space<hbm>>
    %dma_start3A_112 = arith.constant 0 : i32
    %dma_start3A_113 = arith.constant 0 : i32
    %dma_start3A_114 = tpu.memref_slice %arg2[%dma_start3A_112, %dma_start3A_113] : memref<128x256xf32, #tpu.memory_space<hbm>> -> memref<64x256xf32, #tpu.memory_space<hbm>>
    tpu.enqueue_dma source(%dma_start3A_114 : memref<64x256xf32, #tpu.memory_space<hbm>>) target(%arg7 : memref<64x256xf32, #tpu.memory_space<vmem>>) target_semaphore(%arg17 : memref<!tpu.dma_semaphore, #tpu.memory_space<semaphore_mem>>)
    %dma_start3A_115 = arith.constant 0 : i32
    %dma_start3A_116 = arith.constant 0 : i32
    %dma_start3A_117 = tpu.memref_slice %arg8[%dma_start3A_115, %dma_start3A_116] : memref<2x512xf32, #tpu.memory_space<vmem>> -> memref<1x256xf32, #tpu.memory_space<vmem>>
    %dma_start3A_118 = tpu.memref_squeeze %dma_start3A_117 : memref<1x256xf32, #tpu.memory_space<vmem>> -> memref<256xf32, #tpu.memory_space<vmem>>
    %dma_start3A_119 = arith.constant 0 : i32
    %dma_start3A_120 = tpu.memref_slice %arg4[%select_n3A_45, %dma_start3A_119] : memref<2x256xf32, #tpu.memory_space<hbm>> -> memref<1x256xf32, #tpu.memory_space<hbm>>
    %dma_start3A_121 = tpu.memref_squeeze %dma_start3A_120 : memref<1x256xf32, #tpu.memory_space<hbm>> -> memref<256xf32, #tpu.memory_space<hbm>>
    %dma_start3A_122 = arith.constant 0 : i32
    %dma_start3A_123 = tpu.memref_slice %arg8[%dma_start3A_115, %dma_start3A_122] : memref<2x512xf32, #tpu.memory_space<vmem>> -> memref<1x256xf32, #tpu.memory_space<vmem>>
    %dma_start3A_124 = tpu.memref_squeeze %dma_start3A_123 : memref<1x256xf32, #tpu.memory_space<vmem>> -> memref<256xf32, #tpu.memory_space<vmem>>
    %dma_start3A_125 = arith.constant 0 : i32
    %dma_start3A_126 = tpu.memref_slice %arg4[%select_n3A_45, %dma_start3A_125] : memref<2x256xf32, #tpu.memory_space<hbm>> -> memref<1x256xf32, #tpu.memory_space<hbm>>
    %dma_start3A_127 = tpu.memref_squeeze %dma_start3A_126 : memref<1x256xf32, #tpu.memory_space<hbm>> -> memref<256xf32, #tpu.memory_space<hbm>>
    tpu.enqueue_dma source(%dma_start3A_127 : memref<256xf32, #tpu.memory_space<hbm>>) target(%dma_start3A_124 : memref<256xf32, #tpu.memory_space<vmem>>) target_semaphore(%arg17 : memref<!tpu.dma_semaphore, #tpu.memory_space<semaphore_mem>>)
    %dma_start3A_128 = arith.constant 0 : i32
    %dma_start3A_129 = arith.constant 256 : i32
    %dma_start3A_130 = tpu.memref_slice %arg8[%dma_start3A_128, %dma_start3A_129] : memref<2x512xf32, #tpu.memory_space<vmem>> -> memref<1x256xf32, #tpu.memory_space<vmem>>
    %dma_start3A_131 = tpu.memref_squeeze %dma_start3A_130 : memref<1x256xf32, #tpu.memory_space<vmem>> -> memref<256xf32, #tpu.memory_space<vmem>>
    %dma_start3A_132 = arith.constant 0 : i32
    %dma_start3A_133 = tpu.memref_slice %arg5[%select_n3A_69, %dma_start3A_132] : memref<9x256xf32, #tpu.memory_space<hbm>> -> memref<1x256xf32, #tpu.memory_space<hbm>>
    %dma_start3A_134 = tpu.memref_squeeze %dma_start3A_133 : memref<1x256xf32, #tpu.memory_space<hbm>> -> memref<256xf32, #tpu.memory_space<hbm>>
    %dma_start3A_135 = arith.constant 256 : i32
    %dma_start3A_136 = tpu.memref_slice %arg8[%dma_start3A_128, %dma_start3A_135] : memref<2x512xf32, #tpu.memory_space<vmem>> -> memref<1x256xf32, #tpu.memory_space<vmem>>
    %dma_start3A_137 = tpu.memref_squeeze %dma_start3A_136 : memref<1x256xf32, #tpu.memory_space<vmem>> -> memref<256xf32, #tpu.memory_space<vmem>>
    %dma_start3A_138 = arith.constant 0 : i32
    %dma_start3A_139 = tpu.memref_slice %arg5[%select_n3A_69, %dma_start3A_138] : memref<9x256xf32, #tpu.memory_space<hbm>> -> memref<1x256xf32, #tpu.memory_space<hbm>>
    %dma_start3A_140 = tpu.memref_squeeze %dma_start3A_139 : memref<1x256xf32, #tpu.memory_space<hbm>> -> memref<256xf32, #tpu.memory_space<hbm>>
    tpu.enqueue_dma source(%dma_start3A_140 : memref<256xf32, #tpu.memory_space<hbm>>) target(%dma_start3A_137 : memref<256xf32, #tpu.memory_space<vmem>>) target_semaphore(%arg17 : memref<!tpu.dma_semaphore, #tpu.memory_space<semaphore_mem>>)
    %dma_start3A_141 = arith.constant 1 : i32
    %dma_start3A_142 = arith.constant 0 : i32
    %dma_start3A_143 = tpu.memref_slice %arg8[%dma_start3A_141, %dma_start3A_142] : memref<2x512xf32, #tpu.memory_space<vmem>> -> memref<1x256xf32, #tpu.memory_space<vmem>>
    %dma_start3A_144 = tpu.memref_squeeze %dma_start3A_143 : memref<1x256xf32, #tpu.memory_space<vmem>> -> memref<256xf32, #tpu.memory_space<vmem>>
    %dma_start3A_145 = arith.constant 0 : i32
    %dma_start3A_146 = tpu.memref_slice %arg4[%select_n3A_85, %dma_start3A_145] : memref<2x256xf32, #tpu.memory_space<hbm>> -> memref<1x256xf32, #tpu.memory_space<hbm>>
    %dma_start3A_147 = tpu.memref_squeeze %dma_start3A_146 : memref<1x256xf32, #tpu.memory_space<hbm>> -> memref<256xf32, #tpu.memory_space<hbm>>
    %dma_start3A_148 = arith.constant 0 : i32
    %dma_start3A_149 = tpu.memref_slice %arg8[%dma_start3A_141, %dma_start3A_148] : memref<2x512xf32, #tpu.memory_space<vmem>> -> memref<1x256xf32, #tpu.memory_space<vmem>>
    %dma_start3A_150 = tpu.memref_squeeze %dma_start3A_149 : memref<1x256xf32, #tpu.memory_space<vmem>> -> memref<256xf32, #tpu.memory_space<vmem>>
    %dma_start3A_151 = arith.constant 0 : i32
    %dma_start3A_152 = tpu.memref_slice %arg4[%select_n3A_85, %dma_start3A_151] : memref<2x256xf32, #tpu.memory_space<hbm>> -> memref<1x256xf32, #tpu.memory_space<hbm>>
    %dma_start3A_153 = tpu.memref_squeeze %dma_start3A_152 : memref<1x256xf32, #tpu.memory_space<hbm>> -> memref<256xf32, #tpu.memory_space<hbm>>
    tpu.enqueue_dma source(%dma_start3A_153 : memref<256xf32, #tpu.memory_space<hbm>>) target(%dma_start3A_150 : memref<256xf32, #tpu.memory_space<vmem>>) target_semaphore(%arg17 : memref<!tpu.dma_semaphore, #tpu.memory_space<semaphore_mem>>)
    %dma_start3A_154 = arith.constant 1 : i32
    %dma_start3A_155 = arith.constant 256 : i32
    %dma_start3A_156 = tpu.memref_slice %arg8[%dma_start3A_154, %dma_start3A_155] : memref<2x512xf32, #tpu.memory_space<vmem>> -> memref<1x256xf32, #tpu.memory_space<vmem>>
    %dma_start3A_157 = tpu.memref_squeeze %dma_start3A_156 : memref<1x256xf32, #tpu.memory_space<vmem>> -> memref<256xf32, #tpu.memory_space<vmem>>
    %dma_start3A_158 = arith.constant 0 : i32
    %dma_start3A_159 = tpu.memref_slice %arg5[%select_n3A_109, %dma_start3A_158] : memref<9x256xf32, #tpu.memory_space<hbm>> -> memref<1x256xf32, #tpu.memory_space<hbm>>
    %dma_start3A_160 = tpu.memref_squeeze %dma_start3A_159 : memref<1x256xf32, #tpu.memory_space<hbm>> -> memref<256xf32, #tpu.memory_space<hbm>>
    %dma_start3A_161 = arith.constant 256 : i32
    %dma_start3A_162 = tpu.memref_slice %arg8[%dma_start3A_154, %dma_start3A_161] : memref<2x512xf32, #tpu.memory_space<vmem>> -> memref<1x256xf32, #tpu.memory_space<vmem>>
    %dma_start3A_163 = tpu.memref_squeeze %dma_start3A_162 : memref<1x256xf32, #tpu.memory_space<vmem>> -> memref<256xf32, #tpu.memory_space<vmem>>
    %dma_start3A_164 = arith.constant 0 : i32
    %dma_start3A_165 = tpu.memref_slice %arg5[%select_n3A_109, %dma_start3A_164] : memref<9x256xf32, #tpu.memory_space<hbm>> -> memref<1x256xf32, #tpu.memory_space<hbm>>
    %dma_start3A_166 = tpu.memref_squeeze %dma_start3A_165 : memref<1x256xf32, #tpu.memory_space<hbm>> -> memref<256xf32, #tpu.memory_space<hbm>>
    tpu.enqueue_dma source(%dma_start3A_166 : memref<256xf32, #tpu.memory_space<hbm>>) target(%dma_start3A_163 : memref<256xf32, #tpu.memory_space<vmem>>) target_semaphore(%arg17 : memref<!tpu.dma_semaphore, #tpu.memory_space<semaphore_mem>>)
    %dma_wait3A = arith.constant 0 : i32
    %dma_wait3A_167 = arith.constant 0 : i32
    %dma_wait3A_168 = tpu.memref_slice %arg2[%dma_wait3A, %dma_wait3A_167] : memref<128x256xf32, #tpu.memory_space<hbm>> -> memref<64x256xf32, #tpu.memory_space<hbm>>
    %dma_wait3A_169 = arith.constant 0 : i32
    %dma_wait3A_170 = arith.constant 0 : i32
    %dma_wait3A_171 = tpu.memref_slice %arg2[%dma_wait3A_169, %dma_wait3A_170] : memref<128x256xf32, #tpu.memory_space<hbm>> -> memref<64x256xf32, #tpu.memory_space<hbm>>
    tpu.wait_dma2 semaphore(%arg17 : memref<!tpu.dma_semaphore, #tpu.memory_space<semaphore_mem>>) src(%dma_wait3A_171 : memref<64x256xf32, #tpu.memory_space<hbm>>) dst(%arg7 : memref<64x256xf32, #tpu.memory_space<vmem>>)
    %dma_wait3A_172 = arith.constant 0 : i32
    %dma_wait3A_173 = arith.constant 0 : i32
    %dma_wait3A_174 = tpu.memref_slice %arg8[%dma_wait3A_172, %dma_wait3A_173] : memref<2x512xf32, #tpu.memory_space<vmem>> -> memref<1x256xf32, #tpu.memory_space<vmem>>
    %dma_wait3A_175 = tpu.memref_squeeze %dma_wait3A_174 : memref<1x256xf32, #tpu.memory_space<vmem>> -> memref<256xf32, #tpu.memory_space<vmem>>
    %dma_wait3A_176 = arith.constant 0 : i32
    %dma_wait3A_177 = tpu.memref_slice %arg4[%select_n3A_45, %dma_wait3A_176] : memref<2x256xf32, #tpu.memory_space<hbm>> -> memref<1x256xf32, #tpu.memory_space<hbm>>
    %dma_wait3A_178 = tpu.memref_squeeze %dma_wait3A_177 : memref<1x256xf32, #tpu.memory_space<hbm>> -> memref<256xf32, #tpu.memory_space<hbm>>
    %dma_wait3A_179 = arith.constant 0 : i32
    %dma_wait3A_180 = tpu.memref_slice %arg8[%dma_wait3A_172, %dma_wait3A_179] : memref<2x512xf32, #tpu.memory_space<vmem>> -> memref<1x256xf32, #tpu.memory_space<vmem>>
    %dma_wait3A_181 = tpu.memref_squeeze %dma_wait3A_180 : memref<1x256xf32, #tpu.memory_space<vmem>> -> memref<256xf32, #tpu.memory_space<vmem>>
    %dma_wait3A_182 = arith.constant 0 : i32
    %dma_wait3A_183 = tpu.memref_slice %arg4[%select_n3A_45, %dma_wait3A_182] : memref<2x256xf32, #tpu.memory_space<hbm>> -> memref<1x256xf32, #tpu.memory_space<hbm>>
    %dma_wait3A_184 = tpu.memref_squeeze %dma_wait3A_183 : memref<1x256xf32, #tpu.memory_space<hbm>> -> memref<256xf32, #tpu.memory_space<hbm>>
    tpu.wait_dma2 semaphore(%arg17 : memref<!tpu.dma_semaphore, #tpu.memory_space<semaphore_mem>>) src(%dma_wait3A_184 : memref<256xf32, #tpu.memory_space<hbm>>) dst(%dma_wait3A_181 : memref<256xf32, #tpu.memory_space<vmem>>)
    %dma_wait3A_185 = arith.constant 0 : i32
    %dma_wait3A_186 = arith.constant 256 : i32
    %dma_wait3A_187 = tpu.memref_slice %arg8[%dma_wait3A_185, %dma_wait3A_186] : memref<2x512xf32, #tpu.memory_space<vmem>> -> memref<1x256xf32, #tpu.memory_space<vmem>>
    %dma_wait3A_188 = tpu.memref_squeeze %dma_wait3A_187 : memref<1x256xf32, #tpu.memory_space<vmem>> -> memref<256xf32, #tpu.memory_space<vmem>>
    %dma_wait3A_189 = arith.constant 0 : i32
    %dma_wait3A_190 = tpu.memref_slice %arg5[%select_n3A_69, %dma_wait3A_189] : memref<9x256xf32, #tpu.memory_space<hbm>> -> memref<1x256xf32, #tpu.memory_space<hbm>>
    %dma_wait3A_191 = tpu.memref_squeeze %dma_wait3A_190 : memref<1x256xf32, #tpu.memory_space<hbm>> -> memref<256xf32, #tpu.memory_space<hbm>>
    %dma_wait3A_192 = arith.constant 256 : i32
    %dma_wait3A_193 = tpu.memref_slice %arg8[%dma_wait3A_185, %dma_wait3A_192] : memref<2x512xf32, #tpu.memory_space<vmem>> -> memref<1x256xf32, #tpu.memory_space<vmem>>
    %dma_wait3A_194 = tpu.memref_squeeze %dma_wait3A_193 : memref<1x256xf32, #tpu.memory_space<vmem>> -> memref<256xf32, #tpu.memory_space<vmem>>
    %dma_wait3A_195 = arith.constant 0 : i32
    %dma_wait3A_196 = tpu.memref_slice %arg5[%select_n3A_69, %dma_wait3A_195] : memref<9x256xf32, #tpu.memory_space<hbm>> -> memref<1x256xf32, #tpu.memory_space<hbm>>
    %dma_wait3A_197 = tpu.memref_squeeze %dma_wait3A_196 : memref<1x256xf32, #tpu.memory_space<hbm>> -> memref<256xf32, #tpu.memory_space<hbm>>
    tpu.wait_dma2 semaphore(%arg17 : memref<!tpu.dma_semaphore, #tpu.memory_space<semaphore_mem>>) src(%dma_wait3A_197 : memref<256xf32, #tpu.memory_space<hbm>>) dst(%dma_wait3A_194 : memref<256xf32, #tpu.memory_space<vmem>>)
    %dma_wait3A_198 = arith.constant 1 : i32
    %dma_wait3A_199 = arith.constant 0 : i32
    %dma_wait3A_200 = tpu.memref_slice %arg8[%dma_wait3A_198, %dma_wait3A_199] : memref<2x512xf32, #tpu.memory_space<vmem>> -> memref<1x256xf32, #tpu.memory_space<vmem>>
    %dma_wait3A_201 = tpu.memref_squeeze %dma_wait3A_200 : memref<1x256xf32, #tpu.memory_space<vmem>> -> memref<256xf32, #tpu.memory_space<vmem>>
    %dma_wait3A_202 = arith.constant 0 : i32
    %dma_wait3A_203 = tpu.memref_slice %arg4[%select_n3A_85, %dma_wait3A_202] : memref<2x256xf32, #tpu.memory_space<hbm>> -> memref<1x256xf32, #tpu.memory_space<hbm>>
    %dma_wait3A_204 = tpu.memref_squeeze %dma_wait3A_203 : memref<1x256xf32, #tpu.memory_space<hbm>> -> memref<256xf32, #tpu.memory_space<hbm>>
    %dma_wait3A_205 = arith.constant 0 : i32
    %dma_wait3A_206 = tpu.memref_slice %arg8[%dma_wait3A_198, %dma_wait3A_205] : memref<2x512xf32, #tpu.memory_space<vmem>> -> memref<1x256xf32, #tpu.memory_space<vmem>>
    %dma_wait3A_207 = tpu.memref_squeeze %dma_wait3A_206 : memref<1x256xf32, #tpu.memory_space<vmem>> -> memref<256xf32, #tpu.memory_space<vmem>>
    %dma_wait3A_208 = arith.constant 0 : i32
    %dma_wait3A_209 = tpu.memref_slice %arg4[%select_n3A_85, %dma_wait3A_208] : memref<2x256xf32, #tpu.memory_space<hbm>> -> memref<1x256xf32, #tpu.memory_space<hbm>>
    %dma_wait3A_210 = tpu.memref_squeeze %dma_wait3A_209 : memref<1x256xf32, #tpu.memory_space<hbm>> -> memref<256xf32, #tpu.memory_space<hbm>>
    tpu.wait_dma2 semaphore(%arg17 : memref<!tpu.dma_semaphore, #tpu.memory_space<semaphore_mem>>) src(%dma_wait3A_210 : memref<256xf32, #tpu.memory_space<hbm>>) dst(%dma_wait3A_207 : memref<256xf32, #tpu.memory_space<vmem>>)
    %dma_wait3A_211 = arith.constant 1 : i32
    %dma_wait3A_212 = arith.constant 256 : i32
    %dma_wait3A_213 = tpu.memref_slice %arg8[%dma_wait3A_211, %dma_wait3A_212] : memref<2x512xf32, #tpu.memory_space<vmem>> -> memref<1x256xf32, #tpu.memory_space<vmem>>
    %dma_wait3A_214 = tpu.memref_squeeze %dma_wait3A_213 : memref<1x256xf32, #tpu.memory_space<vmem>> -> memref<256xf32, #tpu.memory_space<vmem>>
    %dma_wait3A_215 = arith.constant 0 : i32
    %dma_wait3A_216 = tpu.memref_slice %arg5[%select_n3A_109, %dma_wait3A_215] : memref<9x256xf32, #tpu.memory_space<hbm>> -> memref<1x256xf32, #tpu.memory_space<hbm>>
    %dma_wait3A_217 = tpu.memref_squeeze %dma_wait3A_216 : memref<1x256xf32, #tpu.memory_space<hbm>> -> memref<256xf32, #tpu.memory_space<hbm>>
    %dma_wait3A_218 = arith.constant 256 : i32
    %dma_wait3A_219 = tpu.memref_slice %arg8[%dma_wait3A_211, %dma_wait3A_218] : memref<2x512xf32, #tpu.memory_space<vmem>> -> memref<1x256xf32, #tpu.memory_space<vmem>>
    %dma_wait3A_220 = tpu.memref_squeeze %dma_wait3A_219 : memref<1x256xf32, #tpu.memory_space<vmem>> -> memref<256xf32, #tpu.memory_space<vmem>>
    %dma_wait3A_221 = arith.constant 0 : i32
    %dma_wait3A_222 = tpu.memref_slice %arg5[%select_n3A_109, %dma_wait3A_221] : memref<9x256xf32, #tpu.memory_space<hbm>> -> memref<1x256xf32, #tpu.memory_space<hbm>>
    %dma_wait3A_223 = tpu.memref_squeeze %dma_wait3A_222 : memref<1x256xf32, #tpu.memory_space<hbm>> -> memref<256xf32, #tpu.memory_space<hbm>>
    tpu.wait_dma2 semaphore(%arg17 : memref<!tpu.dma_semaphore, #tpu.memory_space<semaphore_mem>>) src(%dma_wait3A_223 : memref<256xf32, #tpu.memory_space<hbm>>) dst(%dma_wait3A_220 : memref<256xf32, #tpu.memory_space<vmem>>)
    %get3A = arith.constant 0 : i32
    %get3A_224 = arith.index_cast %get3A : i32 to index
    %get3A_225 = arith.constant 0 : index
    %get3A_226 = tpu.vector_load %arg8[%get3A_224, %get3A_225] {strides = array<i32>} : memref<2x512xf32, #tpu.memory_space<vmem>>, vector<1x16xf32>,
    %get3A_227 = vector.shape_cast %get3A_226 : vector<1x16xf32> to vector<16xf32>
    %get3A_228 = arith.constant 0 : i32
    %get3A_229 = arith.index_cast %get3A_228 : i32 to index
    %get3A_230 = arith.constant 16 : index
    %get3A_231 = tpu.vector_load %arg8[%get3A_229, %get3A_230] {strides = array<i32>} : memref<2x512xf32, #tpu.memory_space<vmem>>, vector<1x16xf32>,
    %get3A_232 = vector.shape_cast %get3A_231 : vector<1x16xf32> to vector<16xf32>
    %get3A_233 = arith.constant 0 : i32
    %get3A_234 = arith.index_cast %get3A_233 : i32 to index
    %get3A_235 = arith.constant 32 : index
    %get3A_236 = tpu.vector_load %arg8[%get3A_234, %get3A_235] {strides = array<i32>} : memref<2x512xf32, #tpu.memory_space<vmem>>, vector<1x16xf32>,
    %get3A_237 = vector.shape_cast %get3A_236 : vector<1x16xf32> to vector<16xf32>
    %get3A_238 = arith.constant 0 : i32
    %get3A_239 = arith.index_cast %get3A_238 : i32 to index
    %get3A_240 = arith.constant 48 : index
    %get3A_241 = tpu.vector_load %arg8[%get3A_239, %get3A_240] {strides = array<i32>} : memref<2x512xf32, #tpu.memory_space<vmem>>, vector<1x16xf32>,
    %get3A_242 = vector.shape_cast %get3A_241 : vector<1x16xf32> to vector<16xf32>
    %get3A_243 = arith.constant 0 : i32
    %get3A_244 = arith.index_cast %get3A_243 : i32 to index
    %get3A_245 = arith.constant 64 : index
    %get3A_246 = tpu.vector_load %arg8[%get3A_244, %get3A_245] {strides = array<i32>} : memref<2x512xf32, #tpu.memory_space<vmem>>, vector<1x16xf32>,
    %get3A_247 = vector.shape_cast %get3A_246 : vector<1x16xf32> to vector<16xf32>
    %get3A_248 = arith.constant 0 : i32
    %get3A_249 = arith.index_cast %get3A_248 : i32 to index
    %get3A_250 = arith.constant 80 : index
    %get3A_251 = tpu.vector_load %arg8[%get3A_249, %get3A_250] {strides = array<i32>} : memref<2x512xf32, #tpu.memory_space<vmem>>, vector<1x16xf32>,
    %get3A_252 = vector.shape_cast %get3A_251 : vector<1x16xf32> to vector<16xf32>
    %get3A_253 = arith.constant 0 : i32
    %get3A_254 = arith.index_cast %get3A_253 : i32 to index
    %get3A_255 = arith.constant 96 : index
    %get3A_256 = tpu.vector_load %arg8[%get3A_254, %get3A_255] {strides = array<i32>} : memref<2x512xf32, #tpu.memory_space<vmem>>, vector<1x16xf32>,
    %get3A_257 = vector.shape_cast %get3A_256 : vector<1x16xf32> to vector<16xf32>
    %get3A_258 = arith.constant 0 : i32
    %get3A_259 = arith.index_cast %get3A_258 : i32 to index
    %get3A_260 = arith.constant 112 : index
    %get3A_261 = tpu.vector_load %arg8[%get3A_259, %get3A_260] {strides = array<i32>} : memref<2x512xf32, #tpu.memory_space<vmem>>, vector<1x16xf32>,
    %get3A_262 = vector.shape_cast %get3A_261 : vector<1x16xf32> to vector<16xf32>
    %get3A_263 = arith.constant 0 : i32
    %get3A_264 = arith.index_cast %get3A_263 : i32 to index
    %get3A_265 = arith.constant 128 : index
    %get3A_266 = tpu.vector_load %arg8[%get3A_264, %get3A_265] {strides = array<i32>} : memref<2x512xf32, #tpu.memory_space<vmem>>, vector<1x16xf32>,
    %get3A_267 = vector.shape_cast %get3A_266 : vector<1x16xf32> to vector<16xf32>
    %get3A_268 = arith.constant 0 : i32
    %get3A_269 = arith.index_cast %get3A_268 : i32 to index
    %get3A_270 = arith.constant 144 : index
    %get3A_271 = tpu.vector_load %arg8[%get3A_269, %get3A_270] {strides = array<i32>} : memref<2x512xf32, #tpu.memory_space<vmem>>, vector<1x16xf32>,
    %get3A_272 = vector.shape_cast %get3A_271 : vector<1x16xf32> to vector<16xf32>
    %get3A_273 = arith.constant 0 : i32
    %get3A_274 = arith.index_cast %get3A_273 : i32 to index
    %get3A_275 = arith.constant 160 : index
    %get3A_276 = tpu.vector_load %arg8[%get3A_274, %get3A_275] {strides = array<i32>} : memref<2x512xf32, #tpu.memory_space<vmem>>, vector<1x16xf32>,
    %get3A_277 = vector.shape_cast %get3A_276 : vector<1x16xf32> to vector<16xf32>
    %get3A_278 = arith.constant 0 : i32
    %get3A_279 = arith.index_cast %get3A_278 : i32 to index
    %get3A_280 = arith.constant 176 : index
    %get3A_281 = tpu.vector_load %arg8[%get3A_279, %get3A_280] {strides = array<i32>} : memref<2x512xf32, #tpu.memory_space<vmem>>, vector<1x16xf32>,
    %get3A_282 = vector.shape_cast %get3A_281 : vector<1x16xf32> to vector<16xf32>
    %get3A_283 = arith.constant 0 : i32
    %get3A_284 = arith.index_cast %get3A_283 : i32 to index
    %get3A_285 = arith.constant 192 : index
    %get3A_286 = tpu.vector_load %arg8[%get3A_284, %get3A_285] {strides = array<i32>} : memref<2x512xf32, #tpu.memory_space<vmem>>, vector<1x16xf32>,
    %get3A_287 = vector.shape_cast %get3A_286 : vector<1x16xf32> to vector<16xf32>
    %get3A_288 = arith.constant 0 : i32
    %get3A_289 = arith.index_cast %get3A_288 : i32 to index
    %get3A_290 = arith.constant 208 : index
    %get3A_291 = tpu.vector_load %arg8[%get3A_289, %get3A_290] {strides = array<i32>} : memref<2x512xf32, #tpu.memory_space<vmem>>, vector<1x16xf32>,
    %get3A_292 = vector.shape_cast %get3A_291 : vector<1x16xf32> to vector<16xf32>
    %get3A_293 = arith.constant 0 : i32
    %get3A_294 = arith.index_cast %get3A_293 : i32 to index
    %get3A_295 = arith.constant 224 : index
    %get3A_296 = tpu.vector_load %arg8[%get3A_294, %get3A_295] {strides = array<i32>} : memref<2x512xf32, #tpu.memory_space<vmem>>, vector<1x16xf32>,
    %get3A_297 = vector.shape_cast %get3A_296 : vector<1x16xf32> to vector<16xf32>
    %get3A_298 = arith.constant 0 : i32
    %get3A_299 = arith.index_cast %get3A_298 : i32 to index
    %get3A_300 = arith.constant 240 : index
    %get3A_301 = tpu.vector_load %arg8[%get3A_299, %get3A_300] {strides = array<i32>} : memref<2x512xf32, #tpu.memory_space<vmem>>, vector<1x16xf32>,
    %get3A_302 = vector.shape_cast %get3A_301 : vector<1x16xf32> to vector<16xf32>
    %get3A_303 = arith.constant 0 : i32
    %get3A_304 = arith.index_cast %get3A_303 : i32 to index
    %get3A_305 = arith.constant 256 : index
    %get3A_306 = tpu.vector_load %arg8[%get3A_304, %get3A_305] {strides = array<i32>} : memref<2x512xf32, #tpu.memory_space<vmem>>, vector<1x16xf32>,
    %get3A_307 = vector.shape_cast %get3A_306 : vector<1x16xf32> to vector<16xf32>
    %get3A_308 = arith.constant 0 : i32
    %get3A_309 = arith.index_cast %get3A_308 : i32 to index
    %get3A_310 = arith.constant 272 : index
    %get3A_311 = tpu.vector_load %arg8[%get3A_309, %get3A_310] {strides = array<i32>} : memref<2x512xf32, #tpu.memory_space<vmem>>, vector<1x16xf32>,
    %get3A_312 = vector.shape_cast %get3A_311 : vector<1x16xf32> to vector<16xf32>
    %get3A_313 = arith.constant 0 : i32
    %get3A_314 = arith.index_cast %get3A_313 : i32 to index
    %get3A_315 = arith.constant 288 : index
    %get3A_316 = tpu.vector_load %arg8[%get3A_314, %get3A_315] {strides = array<i32>} : memref<2x512xf32, #tpu.memory_space<vmem>>, vector<1x16xf32>,
    %get3A_317 = vector.shape_cast %get3A_316 : vector<1x16xf32> to vector<16xf32>
    %get3A_318 = arith.constant 0 : i32
    %get3A_319 = arith.index_cast %get3A_318 : i32 to index
    %get3A_320 = arith.constant 304 : index
    %get3A_321 = tpu.vector_load %arg8[%get3A_319, %get3A_320] {strides = array<i32>} : memref<2x512xf32, #tpu.memory_space<vmem>>, vector<1x16xf32>,
    %get3A_322 = vector.shape_cast %get3A_321 : vector<1x16xf32> to vector<16xf32>
    %get3A_323 = arith.constant 0 : i32
    %get3A_324 = arith.index_cast %get3A_323 : i32 to index
    %get3A_325 = arith.constant 320 : index
    %get3A_326 = tpu.vector_load %arg8[%get3A_324, %get3A_325] {strides = array<i32>} : memref<2x512xf32, #tpu.memory_space<vmem>>, vector<1x16xf32>,
    %get3A_327 = vector.shape_cast %get3A_326 : vector<1x16xf32> to vector<16xf32>
    %get3A_328 = arith.constant 0 : i32
    %get3A_329 = arith.index_cast %get3A_328 : i32 to index
    %get3A_330 = arith.constant 336 : index
    %get3A_331 = tpu.vector_load %arg8[%get3A_329, %get3A_330] {strides = array<i32>} : memref<2x512xf32, #tpu.memory_space<vmem>>, vector<1x16xf32>,
    %get3A_332 = vector.shape_cast %get3A_331 : vector<1x16xf32> to vector<16xf32>
    %get3A_333 = arith.constant 0 : i32
    %get3A_334 = arith.index_cast %get3A_333 : i32 to index
    %get3A_335 = arith.constant 352 : index
    %get3A_336 = tpu.vector_load %arg8[%get3A_334, %get3A_335] {strides = array<i32>} : memref<2x512xf32, #tpu.memory_space<vmem>>, vector<1x16xf32>,
    %get3A_337 = vector.shape_cast %get3A_336 : vector<1x16xf32> to vector<16xf32>
    %get3A_338 = arith.constant 0 : i32
    %get3A_339 = arith.index_cast %get3A_338 : i32 to index
    %get3A_340 = arith.constant 368 : index
    %get3A_341 = tpu.vector_load %arg8[%get3A_339, %get3A_340] {strides = array<i32>} : memref<2x512xf32, #tpu.memory_space<vmem>>, vector<1x16xf32>,
    %get3A_342 = vector.shape_cast %get3A_341 : vector<1x16xf32> to vector<16xf32>
    %get3A_343 = arith.constant 0 : i32
    %get3A_344 = arith.index_cast %get3A_343 : i32 to index
    %get3A_345 = arith.constant 384 : index
    %get3A_346 = tpu.vector_load %arg8[%get3A_344, %get3A_345] {strides = array<i32>} : memref<2x512xf32, #tpu.memory_space<vmem>>, vector<1x16xf32>,
    %get3A_347 = vector.shape_cast %get3A_346 : vector<1x16xf32> to vector<16xf32>
    %get3A_348 = arith.constant 0 : i32
    %get3A_349 = arith.index_cast %get3A_348 : i32 to index
    %get3A_350 = arith.constant 400 : index
    %get3A_351 = tpu.vector_load %arg8[%get3A_349, %get3A_350] {strides = array<i32>} : memref<2x512xf32, #tpu.memory_space<vmem>>, vector<1x16xf32>,
    %get3A_352 = vector.shape_cast %get3A_351 : vector<1x16xf32> to vector<16xf32>
    %get3A_353 = arith.constant 0 : i32
    %get3A_354 = arith.index_cast %get3A_353 : i32 to index
    %get3A_355 = arith.constant 416 : index
    %get3A_356 = tpu.vector_load %arg8[%get3A_354, %get3A_355] {strides = array<i32>} : memref<2x512xf32, #tpu.memory_space<vmem>>, vector<1x16xf32>,
    %get3A_357 = vector.shape_cast %get3A_356 : vector<1x16xf32> to vector<16xf32>
    %get3A_358 = arith.constant 0 : i32
    %get3A_359 = arith.index_cast %get3A_358 : i32 to index
    %get3A_360 = arith.constant 432 : index
    %get3A_361 = tpu.vector_load %arg8[%get3A_359, %get3A_360] {strides = array<i32>} : memref<2x512xf32, #tpu.memory_space<vmem>>, vector<1x16xf32>,
    %get3A_362 = vector.shape_cast %get3A_361 : vector<1x16xf32> to vector<16xf32>
    %get3A_363 = arith.constant 0 : i32
    %get3A_364 = arith.index_cast %get3A_363 : i32 to index
    %get3A_365 = arith.constant 448 : index
    %get3A_366 = tpu.vector_load %arg8[%get3A_364, %get3A_365] {strides = array<i32>} : memref<2x512xf32, #tpu.memory_space<vmem>>, vector<1x16xf32>,
    %get3A_367 = vector.shape_cast %get3A_366 : vector<1x16xf32> to vector<16xf32>
    %get3A_368 = arith.constant 0 : i32
    %get3A_369 = arith.index_cast %get3A_368 : i32 to index
    %get3A_370 = arith.constant 464 : index
    %get3A_371 = tpu.vector_load %arg8[%get3A_369, %get3A_370] {strides = array<i32>} : memref<2x512xf32, #tpu.memory_space<vmem>>, vector<1x16xf32>,
    %get3A_372 = vector.shape_cast %get3A_371 : vector<1x16xf32> to vector<16xf32>
    %get3A_373 = arith.constant 0 : i32
    %get3A_374 = arith.index_cast %get3A_373 : i32 to index
    %get3A_375 = arith.constant 480 : index
    %get3A_376 = tpu.vector_load %arg8[%get3A_374, %get3A_375] {strides = array<i32>} : memref<2x512xf32, #tpu.memory_space<vmem>>, vector<1x16xf32>,
    %get3A_377 = vector.shape_cast %get3A_376 : vector<1x16xf32> to vector<16xf32>
    %get3A_378 = arith.constant 0 : i32
    %get3A_379 = arith.index_cast %get3A_378 : i32 to index
    %get3A_380 = arith.constant 496 : index
    %get3A_381 = tpu.vector_load %arg8[%get3A_379, %get3A_380] {strides = array<i32>} : memref<2x512xf32, #tpu.memory_space<vmem>>, vector<1x16xf32>,
    %get3A_382 = vector.shape_cast %get3A_381 : vector<1x16xf32> to vector<16xf32>
    %scan3A = arith.constant 0 : i32
    %scan3A_383 = arith.constant 0 : i32
    %scan3A_384 = arith.constant 64 : i32
    %scan3A_385 = arith.addi %scan3A_383, %scan3A_384 : i32
    %scan3A_386 = arith.constant 1 : i32
    scf.for %scan3A_424 = %scan3A_383 to %scan3A_385 step %scan3A_386  : i32 {
      %swap3A = arith.index_cast %scan3A_424 : i32 to index
      %swap3A_425 = arith.constant 0 : index
      %swap3A_426 = tpu.vector_load %arg11[%swap3A, %swap3A_425] {strides = array<i32>} : memref<64x512xf32, #tpu.memory_space<vmem>>, vector<1x16xf32>,
      %swap3A_427 = vector.shape_cast %swap3A_426 : vector<1x16xf32> to vector<16xf32>
      %swap3A_428 = vector.shape_cast %get3A_227 : vector<16xf32> to vector<1x16xf32>
      tpu.vector_store %arg11[%swap3A, %swap3A_425], %swap3A_428 {strides = array<i32>} : memref<64x512xf32, #tpu.memory_space<vmem>>, vector<1x16xf32>,
      %swap3A_429 = arith.index_cast %scan3A_424 : i32 to index
      %swap3A_430 = arith.constant 16 : index
      %swap3A_431 = tpu.vector_load %arg11[%swap3A_429, %swap3A_430] {strides = array<i32>} : memref<64x512xf32, #tpu.memory_space<vmem>>, vector<1x16xf32>,
      %swap3A_432 = vector.shape_cast %swap3A_431 : vector<1x16xf32> to vector<16xf32>
      %swap3A_433 = vector.shape_cast %get3A_232 : vector<16xf32> to vector<1x16xf32>
      tpu.vector_store %arg11[%swap3A_429, %swap3A_430], %swap3A_433 {strides = array<i32>} : memref<64x512xf32, #tpu.memory_space<vmem>>, vector<1x16xf32>,
      %swap3A_434 = arith.index_cast %scan3A_424 : i32 to index
      %swap3A_435 = arith.constant 32 : index
      %swap3A_436 = tpu.vector_load %arg11[%swap3A_434, %swap3A_435] {strides = array<i32>} : memref<64x512xf32, #tpu.memory_space<vmem>>, vector<1x16xf32>,
      %swap3A_437 = vector.shape_cast %swap3A_436 : vector<1x16xf32> to vector<16xf32>
      %swap3A_438 = vector.shape_cast %get3A_237 : vector<16xf32> to vector<1x16xf32>
      tpu.vector_store %arg11[%swap3A_434, %swap3A_435], %swap3A_438 {strides = array<i32>} : memref<64x512xf32, #tpu.memory_space<vmem>>, vector<1x16xf32>,
      %swap3A_439 = arith.index_cast %scan3A_424 : i32 to index
      %swap3A_440 = arith.constant 48 : index
      %swap3A_441 = tpu.vector_load %arg11[%swap3A_439, %swap3A_440] {strides = array<i32>} : memref<64x512xf32, #tpu.memory_space<vmem>>, vector<1x16xf32>,
      %swap3A_442 = vector.shape_cast %swap3A_441 : vector<1x16xf32> to vector<16xf32>
      %swap3A_443 = vector.shape_cast %get3A_242 : vector<16xf32> to vector<1x16xf32>
      tpu.vector_store %arg11[%swap3A_439, %swap3A_440], %swap3A_443 {strides = array<i32>} : memref<64x512xf32, #tpu.memory_space<vmem>>, vector<1x16xf32>,
      %swap3A_444 = arith.index_cast %scan3A_424 : i32 to index
      %swap3A_445 = arith.constant 64 : index
      %swap3A_446 = tpu.vector_load %arg11[%swap3A_444, %swap3A_445] {strides = array<i32>} : memref<64x512xf32, #tpu.memory_space<vmem>>, vector<1x16xf32>,
      %swap3A_447 = vector.shape_cast %swap3A_446 : vector<1x16xf32> to vector<16xf32>
      %swap3A_448 = vector.shape_cast %get3A_247 : vector<16xf32> to vector<1x16xf32>
      tpu.vector_store %arg11[%swap3A_444, %swap3A_445], %swap3A_448 {strides = array<i32>} : memref<64x512xf32, #tpu.memory_space<vmem>>, vector<1x16xf32>,
      %swap3A_449 = arith.index_cast %scan3A_424 : i32 to index
      %swap3A_450 = arith.constant 80 : index
      %swap3A_451 = tpu.vector_load %arg11[%swap3A_449, %swap3A_450] {strides = array<i32>} : memref<64x512xf32, #tpu.memory_space<vmem>>, vector<1x16xf32>,
      %swap3A_452 = vector.shape_cast %swap3A_451 : vector<1x16xf32> to vector<16xf32>
      %swap3A_453 = vector.shape_cast %get3A_252 : vector<16xf32> to vector<1x16xf32>
      tpu.vector_store %arg11[%swap3A_449, %swap3A_450], %swap3A_453 {strides = array<i32>} : memref<64x512xf32, #tpu.memory_space<vmem>>, vector<1x16xf32>,
      %swap3A_454 = arith.index_cast %scan3A_424 : i32 to index
      %swap3A_455 = arith.constant 96 : index
      %swap3A_456 = tpu.vector_load %arg11[%swap3A_454, %swap3A_455] {strides = array<i32>} : memref<64x512xf32, #tpu.memory_space<vmem>>, vector<1x16xf32>,
      %swap3A_457 = vector.shape_cast %swap3A_456 : vector<1x16xf32> to vector<16xf32>
      %swap3A_458 = vector.shape_cast %get3A_257 : vector<16xf32> to vector<1x16xf32>
      tpu.vector_store %arg11[%swap3A_454, %swap3A_455], %swap3A_458 {strides = array<i32>} : memref<64x512xf32, #tpu.memory_space<vmem>>, vector<1x16xf32>,
      %swap3A_459 = arith.index_cast %scan3A_424 : i32 to index
      %swap3A_460 = arith.constant 112 : index
      %swap3A_461 = tpu.vector_load %arg11[%swap3A_459, %swap3A_460] {strides = array<i32>} : memref<64x512xf32, #tpu.memory_space<vmem>>, vector<1x16xf32>,
      %swap3A_462 = vector.shape_cast %swap3A_461 : vector<1x16xf32> to vector<16xf32>
      %swap3A_463 = vector.shape_cast %get3A_262 : vector<16xf32> to vector<1x16xf32>
      tpu.vector_store %arg11[%swap3A_459, %swap3A_460], %swap3A_463 {strides = array<i32>} : memref<64x512xf32, #tpu.memory_space<vmem>>, vector<1x16xf32>,
      %swap3A_464 = arith.index_cast %scan3A_424 : i32 to index
      %swap3A_465 = arith.constant 128 : index
      %swap3A_466 = tpu.vector_load %arg11[%swap3A_464, %swap3A_465] {strides = array<i32>} : memref<64x512xf32, #tpu.memory_space<vmem>>, vector<1x16xf32>,
      %swap3A_467 = vector.shape_cast %swap3A_466 : vector<1x16xf32> to vector<16xf32>
      %swap3A_468 = vector.shape_cast %get3A_267 : vector<16xf32> to vector<1x16xf32>
      tpu.vector_store %arg11[%swap3A_464, %swap3A_465], %swap3A_468 {strides = array<i32>} : memref<64x512xf32, #tpu.memory_space<vmem>>, vector<1x16xf32>,
      %swap3A_469 = arith.index_cast %scan3A_424 : i32 to index
      %swap3A_470 = arith.constant 144 : index
      %swap3A_471 = tpu.vector_load %arg11[%swap3A_469, %swap3A_470] {strides = array<i32>} : memref<64x512xf32, #tpu.memory_space<vmem>>, vector<1x16xf32>,
      %swap3A_472 = vector.shape_cast %swap3A_471 : vector<1x16xf32> to vector<16xf32>
      %swap3A_473 = vector.shape_cast %get3A_272 : vector<16xf32> to vector<1x16xf32>
      tpu.vector_store %arg11[%swap3A_469, %swap3A_470], %swap3A_473 {strides = array<i32>} : memref<64x512xf32, #tpu.memory_space<vmem>>, vector<1x16xf32>,
      %swap3A_474 = arith.index_cast %scan3A_424 : i32 to index
      %swap3A_475 = arith.constant 160 : index
      %swap3A_476 = tpu.vector_load %arg11[%swap3A_474, %swap3A_475] {strides = array<i32>} : memref<64x512xf32, #tpu.memory_space<vmem>>, vector<1x16xf32>,
      %swap3A_477 = vector.shape_cast %swap3A_476 : vector<1x16xf32> to vector<16xf32>
      %swap3A_478 = vector.shape_cast %get3A_277 : vector<16xf32> to vector<1x16xf32>
      tpu.vector_store %arg11[%swap3A_474, %swap3A_475], %swap3A_478 {strides = array<i32>} : memref<64x512xf32, #tpu.memory_space<vmem>>, vector<1x16xf32>,
      %swap3A_479 = arith.index_cast %scan3A_424 : i32 to index
      %swap3A_480 = arith.constant 176 : index
      %swap3A_481 = tpu.vector_load %arg11[%swap3A_479, %swap3A_480] {strides = array<i32>} : memref<64x512xf32, #tpu.memory_space<vmem>>, vector<1x16xf32>,
      %swap3A_482 = vector.shape_cast %swap3A_481 : vector<1x16xf32> to vector<16xf32>
      %swap3A_483 = vector.shape_cast %get3A_282 : vector<16xf32> to vector<1x16xf32>
      tpu.vector_store %arg11[%swap3A_479, %swap3A_480], %swap3A_483 {strides = array<i32>} : memref<64x512xf32, #tpu.memory_space<vmem>>, vector<1x16xf32>,
      %swap3A_484 = arith.index_cast %scan3A_424 : i32 to index
      %swap3A_485 = arith.constant 192 : index
      %swap3A_486 = tpu.vector_load %arg11[%swap3A_484, %swap3A_485] {strides = array<i32>} : memref<64x512xf32, #tpu.memory_space<vmem>>, vector<1x16xf32>,
      %swap3A_487 = vector.shape_cast %swap3A_486 : vector<1x16xf32> to vector<16xf32>
      %swap3A_488 = vector.shape_cast %get3A_287 : vector<16xf32> to vector<1x16xf32>
      tpu.vector_store %arg11[%swap3A_484, %swap3A_485], %swap3A_488 {strides = array<i32>} : memref<64x512xf32, #tpu.memory_space<vmem>>, vector<1x16xf32>,
      %swap3A_489 = arith.index_cast %scan3A_424 : i32 to index
      %swap3A_490 = arith.constant 208 : index
      %swap3A_491 = tpu.vector_load %arg11[%swap3A_489, %swap3A_490] {strides = array<i32>} : memref<64x512xf32, #tpu.memory_space<vmem>>, vector<1x16xf32>,
      %swap3A_492 = vector.shape_cast %swap3A_491 : vector<1x16xf32> to vector<16xf32>
      %swap3A_493 = vector.shape_cast %get3A_292 : vector<16xf32> to vector<1x16xf32>
      tpu.vector_store %arg11[%swap3A_489, %swap3A_490], %swap3A_493 {strides = array<i32>} : memref<64x512xf32, #tpu.memory_space<vmem>>, vector<1x16xf32>,
      %swap3A_494 = arith.index_cast %scan3A_424 : i32 to index
      %swap3A_495 = arith.constant 224 : index
      %swap3A_496 = tpu.vector_load %arg11[%swap3A_494, %swap3A_495] {strides = array<i32>} : memref<64x512xf32, #tpu.memory_space<vmem>>, vector<1x16xf32>,
      %swap3A_497 = vector.shape_cast %swap3A_496 : vector<1x16xf32> to vector<16xf32>
      %swap3A_498 = vector.shape_cast %get3A_297 : vector<16xf32> to vector<1x16xf32>
      tpu.vector_store %arg11[%swap3A_494, %swap3A_495], %swap3A_498 {strides = array<i32>} : memref<64x512xf32, #tpu.memory_space<vmem>>, vector<1x16xf32>,
      %swap3A_499 = arith.index_cast %scan3A_424 : i32 to index
      %swap3A_500 = arith.constant 240 : index
      %swap3A_501 = tpu.vector_load %arg11[%swap3A_499, %swap3A_500] {strides = array<i32>} : memref<64x512xf32, #tpu.memory_space<vmem>>, vector<1x16xf32>,
      %swap3A_502 = vector.shape_cast %swap3A_501 : vector<1x16xf32> to vector<16xf32>
      %swap3A_503 = vector.shape_cast %get3A_302 : vector<16xf32> to vector<1x16xf32>
      tpu.vector_store %arg11[%swap3A_499, %swap3A_500], %swap3A_503 {strides = array<i32>} : memref<64x512xf32, #tpu.memory_space<vmem>>, vector<1x16xf32>,
      %swap3A_504 = arith.index_cast %scan3A_424 : i32 to index
      %swap3A_505 = arith.constant 256 : index
      %swap3A_506 = tpu.vector_load %arg11[%swap3A_504, %swap3A_505] {strides = array<i32>} : memref<64x512xf32, #tpu.memory_space<vmem>>, vector<1x16xf32>,
      %swap3A_507 = vector.shape_cast %swap3A_506 : vector<1x16xf32> to vector<16xf32>
      %swap3A_508 = vector.shape_cast %get3A_307 : vector<16xf32> to vector<1x16xf32>
      tpu.vector_store %arg11[%swap3A_504, %swap3A_505], %swap3A_508 {strides = array<i32>} : memref<64x512xf32, #tpu.memory_space<vmem>>, vector<1x16xf32>,
      %swap3A_509 = arith.index_cast %scan3A_424 : i32 to index
      %swap3A_510 = arith.constant 272 : index
      %swap3A_511 = tpu.vector_load %arg11[%swap3A_509, %swap3A_510] {strides = array<i32>} : memref<64x512xf32, #tpu.memory_space<vmem>>, vector<1x16xf32>,
      %swap3A_512 = vector.shape_cast %swap3A_511 : vector<1x16xf32> to vector<16xf32>
      %swap3A_513 = vector.shape_cast %get3A_312 : vector<16xf32> to vector<1x16xf32>
      tpu.vector_store %arg11[%swap3A_509, %swap3A_510], %swap3A_513 {strides = array<i32>} : memref<64x512xf32, #tpu.memory_space<vmem>>, vector<1x16xf32>,
      %swap3A_514 = arith.index_cast %scan3A_424 : i32 to index
      %swap3A_515 = arith.constant 288 : index
      %swap3A_516 = tpu.vector_load %arg11[%swap3A_514, %swap3A_515] {strides = array<i32>} : memref<64x512xf32, #tpu.memory_space<vmem>>, vector<1x16xf32>,
      %swap3A_517 = vector.shape_cast %swap3A_516 : vector<1x16xf32> to vector<16xf32>
      %swap3A_518 = vector.shape_cast %get3A_317 : vector<16xf32> to vector<1x16xf32>
      tpu.vector_store %arg11[%swap3A_514, %swap3A_515], %swap3A_518 {strides = array<i32>} : memref<64x512xf32, #tpu.memory_space<vmem>>, vector<1x16xf32>,
      %swap3A_519 = arith.index_cast %scan3A_424 : i32 to index
      %swap3A_520 = arith.constant 304 : index
      %swap3A_521 = tpu.vector_load %arg11[%swap3A_519, %swap3A_520] {strides = array<i32>} : memref<64x512xf32, #tpu.memory_space<vmem>>, vector<1x16xf32>,
      %swap3A_522 = vector.shape_cast %swap3A_521 : vector<1x16xf32> to vector<16xf32>
      %swap3A_523 = vector.shape_cast %get3A_322 : vector<16xf32> to vector<1x16xf32>
      tpu.vector_store %arg11[%swap3A_519, %swap3A_520], %swap3A_523 {strides = array<i32>} : memref<64x512xf32, #tpu.memory_space<vmem>>, vector<1x16xf32>,
      %swap3A_524 = arith.index_cast %scan3A_424 : i32 to index
      %swap3A_525 = arith.constant 320 : index
      %swap3A_526 = tpu.vector_load %arg11[%swap3A_524, %swap3A_525] {strides = array<i32>} : memref<64x512xf32, #tpu.memory_space<vmem>>, vector<1x16xf32>,
      %swap3A_527 = vector.shape_cast %swap3A_526 : vector<1x16xf32> to vector<16xf32>
      %swap3A_528 = vector.shape_cast %get3A_327 : vector<16xf32> to vector<1x16xf32>
      tpu.vector_store %arg11[%swap3A_524, %swap3A_525], %swap3A_528 {strides = array<i32>} : memref<64x512xf32, #tpu.memory_space<vmem>>, vector<1x16xf32>,
      %swap3A_529 = arith.index_cast %scan3A_424 : i32 to index
      %swap3A_530 = arith.constant 336 : index
      %swap3A_531 = tpu.vector_load %arg11[%swap3A_529, %swap3A_530] {strides = array<i32>} : memref<64x512xf32, #tpu.memory_space<vmem>>, vector<1x16xf32>,
      %swap3A_532 = vector.shape_cast %swap3A_531 : vector<1x16xf32> to vector<16xf32>
      %swap3A_533 = vector.shape_cast %get3A_332 : vector<16xf32> to vector<1x16xf32>
      tpu.vector_store %arg11[%swap3A_529, %swap3A_530], %swap3A_533 {strides = array<i32>} : memref<64x512xf32, #tpu.memory_space<vmem>>, vector<1x16xf32>,
      %swap3A_534 = arith.index_cast %scan3A_424 : i32 to index
      %swap3A_535 = arith.constant 352 : index
      %swap3A_536 = tpu.vector_load %arg11[%swap3A_534, %swap3A_535] {strides = array<i32>} : memref<64x512xf32, #tpu.memory_space<vmem>>, vector<1x16xf32>,
      %swap3A_537 = vector.shape_cast %swap3A_536 : vector<1x16xf32> to vector<16xf32>
      %swap3A_538 = vector.shape_cast %get3A_337 : vector<16xf32> to vector<1x16xf32>
      tpu.vector_store %arg11[%swap3A_534, %swap3A_535], %swap3A_538 {strides = array<i32>} : memref<64x512xf32, #tpu.memory_space<vmem>>, vector<1x16xf32>,
      %swap3A_539 = arith.index_cast %scan3A_424 : i32 to index
      %swap3A_540 = arith.constant 368 : index
      %swap3A_541 = tpu.vector_load %arg11[%swap3A_539, %swap3A_540] {strides = array<i32>} : memref<64x512xf32, #tpu.memory_space<vmem>>, vector<1x16xf32>,
      %swap3A_542 = vector.shape_cast %swap3A_541 : vector<1x16xf32> to vector<16xf32>
      %swap3A_543 = vector.shape_cast %get3A_342 : vector<16xf32> to vector<1x16xf32>
      tpu.vector_store %arg11[%swap3A_539, %swap3A_540], %swap3A_543 {strides = array<i32>} : memref<64x512xf32, #tpu.memory_space<vmem>>, vector<1x16xf32>,
      %swap3A_544 = arith.index_cast %scan3A_424 : i32 to index
      %swap3A_545 = arith.constant 384 : index
      %swap3A_546 = tpu.vector_load %arg11[%swap3A_544, %swap3A_545] {strides = array<i32>} : memref<64x512xf32, #tpu.memory_space<vmem>>, vector<1x16xf32>,
      %swap3A_547 = vector.shape_cast %swap3A_546 : vector<1x16xf32> to vector<16xf32>
      %swap3A_548 = vector.shape_cast %get3A_347 : vector<16xf32> to vector<1x16xf32>
      tpu.vector_store %arg11[%swap3A_544, %swap3A_545], %swap3A_548 {strides = array<i32>} : memref<64x512xf32, #tpu.memory_space<vmem>>, vector<1x16xf32>,
      %swap3A_549 = arith.index_cast %scan3A_424 : i32 to index
      %swap3A_550 = arith.constant 400 : index
      %swap3A_551 = tpu.vector_load %arg11[%swap3A_549, %swap3A_550] {strides = array<i32>} : memref<64x512xf32, #tpu.memory_space<vmem>>, vector<1x16xf32>,
      %swap3A_552 = vector.shape_cast %swap3A_551 : vector<1x16xf32> to vector<16xf32>
      %swap3A_553 = vector.shape_cast %get3A_352 : vector<16xf32> to vector<1x16xf32>
      tpu.vector_store %arg11[%swap3A_549, %swap3A_550], %swap3A_553 {strides = array<i32>} : memref<64x512xf32, #tpu.memory_space<vmem>>, vector<1x16xf32>,
      %swap3A_554 = arith.index_cast %scan3A_424 : i32 to index
      %swap3A_555 = arith.constant 416 : index
      %swap3A_556 = tpu.vector_load %arg11[%swap3A_554, %swap3A_555] {strides = array<i32>} : memref<64x512xf32, #tpu.memory_space<vmem>>, vector<1x16xf32>,
      %swap3A_557 = vector.shape_cast %swap3A_556 : vector<1x16xf32> to vector<16xf32>
      %swap3A_558 = vector.shape_cast %get3A_357 : vector<16xf32> to vector<1x16xf32>
      tpu.vector_store %arg11[%swap3A_554, %swap3A_555], %swap3A_558 {strides = array<i32>} : memref<64x512xf32, #tpu.memory_space<vmem>>, vector<1x16xf32>,
      %swap3A_559 = arith.index_cast %scan3A_424 : i32 to index
      %swap3A_560 = arith.constant 432 : index
      %swap3A_561 = tpu.vector_load %arg11[%swap3A_559, %swap3A_560] {strides = array<i32>} : memref<64x512xf32, #tpu.memory_space<vmem>>, vector<1x16xf32>,
      %swap3A_562 = vector.shape_cast %swap3A_561 : vector<1x16xf32> to vector<16xf32>
      %swap3A_563 = vector.shape_cast %get3A_362 : vector<16xf32> to vector<1x16xf32>
      tpu.vector_store %arg11[%swap3A_559, %swap3A_560], %swap3A_563 {strides = array<i32>} : memref<64x512xf32, #tpu.memory_space<vmem>>, vector<1x16xf32>,
      %swap3A_564 = arith.index_cast %scan3A_424 : i32 to index
      %swap3A_565 = arith.constant 448 : index
      %swap3A_566 = tpu.vector_load %arg11[%swap3A_564, %swap3A_565] {strides = array<i32>} : memref<64x512xf32, #tpu.memory_space<vmem>>, vector<1x16xf32>,
      %swap3A_567 = vector.shape_cast %swap3A_566 : vector<1x16xf32> to vector<16xf32>
      %swap3A_568 = vector.shape_cast %get3A_367 : vector<16xf32> to vector<1x16xf32>
      tpu.vector_store %arg11[%swap3A_564, %swap3A_565], %swap3A_568 {strides = array<i32>} : memref<64x512xf32, #tpu.memory_space<vmem>>, vector<1x16xf32>,
      %swap3A_569 = arith.index_cast %scan3A_424 : i32 to index
      %swap3A_570 = arith.constant 464 : index
      %swap3A_571 = tpu.vector_load %arg11[%swap3A_569, %swap3A_570] {strides = array<i32>} : memref<64x512xf32, #tpu.memory_space<vmem>>, vector<1x16xf32>,
      %swap3A_572 = vector.shape_cast %swap3A_571 : vector<1x16xf32> to vector<16xf32>
      %swap3A_573 = vector.shape_cast %get3A_372 : vector<16xf32> to vector<1x16xf32>
      tpu.vector_store %arg11[%swap3A_569, %swap3A_570], %swap3A_573 {strides = array<i32>} : memref<64x512xf32, #tpu.memory_space<vmem>>, vector<1x16xf32>,
      %swap3A_574 = arith.index_cast %scan3A_424 : i32 to index
      %swap3A_575 = arith.constant 480 : index
      %swap3A_576 = tpu.vector_load %arg11[%swap3A_574, %swap3A_575] {strides = array<i32>} : memref<64x512xf32, #tpu.memory_space<vmem>>, vector<1x16xf32>,
      %swap3A_577 = vector.shape_cast %swap3A_576 : vector<1x16xf32> to vector<16xf32>
      %swap3A_578 = vector.shape_cast %get3A_377 : vector<16xf32> to vector<1x16xf32>
      tpu.vector_store %arg11[%swap3A_574, %swap3A_575], %swap3A_578 {strides = array<i32>} : memref<64x512xf32, #tpu.memory_space<vmem>>, vector<1x16xf32>,
      %swap3A_579 = arith.index_cast %scan3A_424 : i32 to index
      %swap3A_580 = arith.constant 496 : index
      %swap3A_581 = tpu.vector_load %arg11[%swap3A_579, %swap3A_580] {strides = array<i32>} : memref<64x512xf32, #tpu.memory_space<vmem>>, vector<1x16xf32>,
      %swap3A_582 = vector.shape_cast %swap3A_581 : vector<1x16xf32> to vector<16xf32>
      %swap3A_583 = vector.shape_cast %get3A_382 : vector<16xf32> to vector<1x16xf32>
      tpu.vector_store %arg11[%swap3A_579, %swap3A_580], %swap3A_583 {strides = array<i32>} : memref<64x512xf32, #tpu.memory_space<vmem>>, vector<1x16xf32>,
    }
    %scan3A_387 = arith.constant 64 : i32
    %barrier3A = arith.constant 0 : index
    tpu.barrier barrier_id(%barrier3A)
    %scan3A_388 = arith.constant 0 : i32
    %scan3A_389 = arith.constant 0 : i32
    %scan3A_390 = arith.constant 17 : i32
    %scan3A_391 = arith.addi %scan3A_389, %scan3A_390 : i32
    %scan3A_392 = arith.constant 1 : i32
    scf.for %scan3A_424 = %scan3A_389 to %scan3A_391 step %scan3A_392  : i32 {
      %mul3A_425 = arith.constant 2 : i32
      %mul3A_426 = arith.muli %mul3A_425, %scan3A_424 : i32
      %add3A_427 = arith.addi %mul3A_2, %mul3A_426 : i32
      %add3A_428 = arith.constant 1 : i32
      %add3A_429 = arith.addi %add3A_427, %add3A_428 : i32
      %gt3A = arith.cmpi sgt, %add3A_427, %mul3A_2 : i32
      %convert_element_type3A_430 = arith.extui %gt3A : i1 to i32
      %cond3A_431 = arith.constant 0 : i32
      %cond3A_432 = arith.cmpi ne, %convert_element_type3A_430, %cond3A_431 : i32
      scf.if %cond3A_432 {
        %mul3A_669 = arith.constant 64 : i32
        %mul3A_670 = arith.muli %add3A_427, %mul3A_669 : i32
        %dma_wait3A_671 = arith.constant 512 : i32
        %dma_wait3A_672 = tpu.memref_slice %arg6[%mul3A_670, %dma_wait3A_671] : memref<69632x1024xf32, #tpu.memory_space<hbm>> -> memref<64x512xf32, #tpu.memory_space<hbm>>
        %dma_wait3A_673 = arith.constant 512 : i32
        %dma_wait3A_674 = tpu.memref_slice %arg6[%mul3A_670, %dma_wait3A_673] : memref<69632x1024xf32, #tpu.memory_space<hbm>> -> memref<64x512xf32, #tpu.memory_space<hbm>>
        tpu.wait_dma2 semaphore(%arg15 : memref<!tpu.dma_semaphore, #tpu.memory_space<semaphore_mem>>) src(%arg11 : memref<64x512xf32, #tpu.memory_space<vmem>>) dst(%dma_wait3A_674 : memref<64x512xf32, #tpu.memory_space<hbm>>)
      } else {
      }
      %eq3A_433 = arith.cmpi eq, %add3A_427, %min3A_28 : i32
      %convert_element_type3A_434 = arith.extui %eq3A_433 : i1 to i32
      %cond3A_435 = arith.constant 0 : i32
      %cond3A_436 = arith.cmpi ne, %convert_element_type3A_434, %cond3A_435 : i32
      scf.if %cond3A_436 {
        %get3A_669 = arith.constant 1 : i32
        %get3A_670 = arith.index_cast %get3A_669 : i32 to index
        %get3A_671 = arith.constant 0 : index
        %get3A_672 = tpu.vector_load %arg8[%get3A_670, %get3A_671] {strides = array<i32>} : memref<2x512xf32, #tpu.memory_space<vmem>>, vector<1x16xf32>,
        %get3A_673 = vector.shape_cast %get3A_672 : vector<1x16xf32> to vector<16xf32>
        %get3A_674 = arith.constant 1 : i32
        %get3A_675 = arith.index_cast %get3A_674 : i32 to index
        %get3A_676 = arith.constant 16 : index
        %get3A_677 = tpu.vector_load %arg8[%get3A_675, %get3A_676] {strides = array<i32>} : memref<2x512xf32, #tpu.memory_space<vmem>>, vector<1x16xf32>,
        %get3A_678 = vector.shape_cast %get3A_677 : vector<1x16xf32> to vector<16xf32>
        %get3A_679 = arith.constant 1 : i32
        %get3A_680 = arith.index_cast %get3A_679 : i32 to index
        %get3A_681 = arith.constant 32 : index
        %get3A_682 = tpu.vector_load %arg8[%get3A_680, %get3A_681] {strides = array<i32>} : memref<2x512xf32, #tpu.memory_space<vmem>>, vector<1x16xf32>,
        %get3A_683 = vector.shape_cast %get3A_682 : vector<1x16xf32> to vector<16xf32>
        %get3A_684 = arith.constant 1 : i32
        %get3A_685 = arith.index_cast %get3A_684 : i32 to index
        %get3A_686 = arith.constant 48 : index
        %get3A_687 = tpu.vector_load %arg8[%get3A_685, %get3A_686] {strides = array<i32>} : memref<2x512xf32, #tpu.memory_space<vmem>>, vector<1x16xf32>,
        %get3A_688 = vector.shape_cast %get3A_687 : vector<1x16xf32> to vector<16xf32>
        %get3A_689 = arith.constant 1 : i32
        %get3A_690 = arith.index_cast %get3A_689 : i32 to index
        %get3A_691 = arith.constant 64 : index
        %get3A_692 = tpu.vector_load %arg8[%get3A_690, %get3A_691] {strides = array<i32>} : memref<2x512xf32, #tpu.memory_space<vmem>>, vector<1x16xf32>,
        %get3A_693 = vector.shape_cast %get3A_692 : vector<1x16xf32> to vector<16xf32>
        %get3A_694 = arith.constant 1 : i32
        %get3A_695 = arith.index_cast %get3A_694 : i32 to index
        %get3A_696 = arith.constant 80 : index
        %get3A_697 = tpu.vector_load %arg8[%get3A_695, %get3A_696] {strides = array<i32>} : memref<2x512xf32, #tpu.memory_space<vmem>>, vector<1x16xf32>,
        %get3A_698 = vector.shape_cast %get3A_697 : vector<1x16xf32> to vector<16xf32>
        %get3A_699 = arith.constant 1 : i32
        %get3A_700 = arith.index_cast %get3A_699 : i32 to index
        %get3A_701 = arith.constant 96 : index
        %get3A_702 = tpu.vector_load %arg8[%get3A_700, %get3A_701] {strides = array<i32>} : memref<2x512xf32, #tpu.memory_space<vmem>>, vector<1x16xf32>,
        %get3A_703 = vector.shape_cast %get3A_702 : vector<1x16xf32> to vector<16xf32>
        %get3A_704 = arith.constant 1 : i32
        %get3A_705 = arith.index_cast %get3A_704 : i32 to index
        %get3A_706 = arith.constant 112 : index
        %get3A_707 = tpu.vector_load %arg8[%get3A_705, %get3A_706] {strides = array<i32>} : memref<2x512xf32, #tpu.memory_space<vmem>>, vector<1x16xf32>,
        %get3A_708 = vector.shape_cast %get3A_707 : vector<1x16xf32> to vector<16xf32>
        %get3A_709 = arith.constant 1 : i32
        %get3A_710 = arith.index_cast %get3A_709 : i32 to index
        %get3A_711 = arith.constant 128 : index
        %get3A_712 = tpu.vector_load %arg8[%get3A_710, %get3A_711] {strides = array<i32>} : memref<2x512xf32, #tpu.memory_space<vmem>>, vector<1x16xf32>,
        %get3A_713 = vector.shape_cast %get3A_712 : vector<1x16xf32> to vector<16xf32>
        %get3A_714 = arith.constant 1 : i32
        %get3A_715 = arith.index_cast %get3A_714 : i32 to index
        %get3A_716 = arith.constant 144 : index
        %get3A_717 = tpu.vector_load %arg8[%get3A_715, %get3A_716] {strides = array<i32>} : memref<2x512xf32, #tpu.memory_space<vmem>>, vector<1x16xf32>,
        %get3A_718 = vector.shape_cast %get3A_717 : vector<1x16xf32> to vector<16xf32>
        %get3A_719 = arith.constant 1 : i32
        %get3A_720 = arith.index_cast %get3A_719 : i32 to index
        %get3A_721 = arith.constant 160 : index
        %get3A_722 = tpu.vector_load %arg8[%get3A_720, %get3A_721] {strides = array<i32>} : memref<2x512xf32, #tpu.memory_space<vmem>>, vector<1x16xf32>,
        %get3A_723 = vector.shape_cast %get3A_722 : vector<1x16xf32> to vector<16xf32>
        %get3A_724 = arith.constant 1 : i32
        %get3A_725 = arith.index_cast %get3A_724 : i32 to index
        %get3A_726 = arith.constant 176 : index
        %get3A_727 = tpu.vector_load %arg8[%get3A_725, %get3A_726] {strides = array<i32>} : memref<2x512xf32, #tpu.memory_space<vmem>>, vector<1x16xf32>,
        %get3A_728 = vector.shape_cast %get3A_727 : vector<1x16xf32> to vector<16xf32>
        %get3A_729 = arith.constant 1 : i32
        %get3A_730 = arith.index_cast %get3A_729 : i32 to index
        %get3A_731 = arith.constant 192 : index
        %get3A_732 = tpu.vector_load %arg8[%get3A_730, %get3A_731] {strides = array<i32>} : memref<2x512xf32, #tpu.memory_space<vmem>>, vector<1x16xf32>,
        %get3A_733 = vector.shape_cast %get3A_732 : vector<1x16xf32> to vector<16xf32>
        %get3A_734 = arith.constant 1 : i32
        %get3A_735 = arith.index_cast %get3A_734 : i32 to index
        %get3A_736 = arith.constant 208 : index
        %get3A_737 = tpu.vector_load %arg8[%get3A_735, %get3A_736] {strides = array<i32>} : memref<2x512xf32, #tpu.memory_space<vmem>>, vector<1x16xf32>,
        %get3A_738 = vector.shape_cast %get3A_737 : vector<1x16xf32> to vector<16xf32>
        %get3A_739 = arith.constant 1 : i32
        %get3A_740 = arith.index_cast %get3A_739 : i32 to index
        %get3A_741 = arith.constant 224 : index
        %get3A_742 = tpu.vector_load %arg8[%get3A_740, %get3A_741] {strides = array<i32>} : memref<2x512xf32, #tpu.memory_space<vmem>>, vector<1x16xf32>,
        %get3A_743 = vector.shape_cast %get3A_742 : vector<1x16xf32> to vector<16xf32>
        %get3A_744 = arith.constant 1 : i32
        %get3A_745 = arith.index_cast %get3A_744 : i32 to index
        %get3A_746 = arith.constant 240 : index
        %get3A_747 = tpu.vector_load %arg8[%get3A_745, %get3A_746] {strides = array<i32>} : memref<2x512xf32, #tpu.memory_space<vmem>>, vector<1x16xf32>,
        %get3A_748 = vector.shape_cast %get3A_747 : vector<1x16xf32> to vector<16xf32>
        %get3A_749 = arith.constant 1 : i32
        %get3A_750 = arith.index_cast %get3A_749 : i32 to index
        %get3A_751 = arith.constant 256 : index
        %get3A_752 = tpu.vector_load %arg8[%get3A_750, %get3A_751] {strides = array<i32>} : memref<2x512xf32, #tpu.memory_space<vmem>>, vector<1x16xf32>,
        %get3A_753 = vector.shape_cast %get3A_752 : vector<1x16xf32> to vector<16xf32>
        %get3A_754 = arith.constant 1 : i32
        %get3A_755 = arith.index_cast %get3A_754 : i32 to index
        %get3A_756 = arith.constant 272 : index
        %get3A_757 = tpu.vector_load %arg8[%get3A_755, %get3A_756] {strides = array<i32>} : memref<2x512xf32, #tpu.memory_space<vmem>>, vector<1x16xf32>,
        %get3A_758 = vector.shape_cast %get3A_757 : vector<1x16xf32> to vector<16xf32>
        %get3A_759 = arith.constant 1 : i32
        %get3A_760 = arith.index_cast %get3A_759 : i32 to index
        %get3A_761 = arith.constant 288 : index
        %get3A_762 = tpu.vector_load %arg8[%get3A_760, %get3A_761] {strides = array<i32>} : memref<2x512xf32, #tpu.memory_space<vmem>>, vector<1x16xf32>,
        %get3A_763 = vector.shape_cast %get3A_762 : vector<1x16xf32> to vector<16xf32>
        %get3A_764 = arith.constant 1 : i32
        %get3A_765 = arith.index_cast %get3A_764 : i32 to index
        %get3A_766 = arith.constant 304 : index
        %get3A_767 = tpu.vector_load %arg8[%get3A_765, %get3A_766] {strides = array<i32>} : memref<2x512xf32, #tpu.memory_space<vmem>>, vector<1x16xf32>,
        %get3A_768 = vector.shape_cast %get3A_767 : vector<1x16xf32> to vector<16xf32>
        %get3A_769 = arith.constant 1 : i32
        %get3A_770 = arith.index_cast %get3A_769 : i32 to index
        %get3A_771 = arith.constant 320 : index
        %get3A_772 = tpu.vector_load %arg8[%get3A_770, %get3A_771] {strides = array<i32>} : memref<2x512xf32, #tpu.memory_space<vmem>>, vector<1x16xf32>,
        %get3A_773 = vector.shape_cast %get3A_772 : vector<1x16xf32> to vector<16xf32>
        %get3A_774 = arith.constant 1 : i32
        %get3A_775 = arith.index_cast %get3A_774 : i32 to index
        %get3A_776 = arith.constant 336 : index
        %get3A_777 = tpu.vector_load %arg8[%get3A_775, %get3A_776] {strides = array<i32>} : memref<2x512xf32, #tpu.memory_space<vmem>>, vector<1x16xf32>,
        %get3A_778 = vector.shape_cast %get3A_777 : vector<1x16xf32> to vector<16xf32>
        %get3A_779 = arith.constant 1 : i32
        %get3A_780 = arith.index_cast %get3A_779 : i32 to index
        %get3A_781 = arith.constant 352 : index
        %get3A_782 = tpu.vector_load %arg8[%get3A_780, %get3A_781] {strides = array<i32>} : memref<2x512xf32, #tpu.memory_space<vmem>>, vector<1x16xf32>,
        %get3A_783 = vector.shape_cast %get3A_782 : vector<1x16xf32> to vector<16xf32>
        %get3A_784 = arith.constant 1 : i32
        %get3A_785 = arith.index_cast %get3A_784 : i32 to index
        %get3A_786 = arith.constant 368 : index
        %get3A_787 = tpu.vector_load %arg8[%get3A_785, %get3A_786] {strides = array<i32>} : memref<2x512xf32, #tpu.memory_space<vmem>>, vector<1x16xf32>,
        %get3A_788 = vector.shape_cast %get3A_787 : vector<1x16xf32> to vector<16xf32>
        %get3A_789 = arith.constant 1 : i32
        %get3A_790 = arith.index_cast %get3A_789 : i32 to index
        %get3A_791 = arith.constant 384 : index
        %get3A_792 = tpu.vector_load %arg8[%get3A_790, %get3A_791] {strides = array<i32>} : memref<2x512xf32, #tpu.memory_space<vmem>>, vector<1x16xf32>,
        %get3A_793 = vector.shape_cast %get3A_792 : vector<1x16xf32> to vector<16xf32>
        %get3A_794 = arith.constant 1 : i32
        %get3A_795 = arith.index_cast %get3A_794 : i32 to index
        %get3A_796 = arith.constant 400 : index
        %get3A_797 = tpu.vector_load %arg8[%get3A_795, %get3A_796] {strides = array<i32>} : memref<2x512xf32, #tpu.memory_space<vmem>>, vector<1x16xf32>,
        %get3A_798 = vector.shape_cast %get3A_797 : vector<1x16xf32> to vector<16xf32>
        %get3A_799 = arith.constant 1 : i32
        %get3A_800 = arith.index_cast %get3A_799 : i32 to index
        %get3A_801 = arith.constant 416 : index
        %get3A_802 = tpu.vector_load %arg8[%get3A_800, %get3A_801] {strides = array<i32>} : memref<2x512xf32, #tpu.memory_space<vmem>>, vector<1x16xf32>,
        %get3A_803 = vector.shape_cast %get3A_802 : vector<1x16xf32> to vector<16xf32>
        %get3A_804 = arith.constant 1 : i32
        %get3A_805 = arith.index_cast %get3A_804 : i32 to index
        %get3A_806 = arith.constant 432 : index
        %get3A_807 = tpu.vector_load %arg8[%get3A_805, %get3A_806] {strides = array<i32>} : memref<2x512xf32, #tpu.memory_space<vmem>>, vector<1x16xf32>,
        %get3A_808 = vector.shape_cast %get3A_807 : vector<1x16xf32> to vector<16xf32>
        %get3A_809 = arith.constant 1 : i32
        %get3A_810 = arith.index_cast %get3A_809 : i32 to index
        %get3A_811 = arith.constant 448 : index
        %get3A_812 = tpu.vector_load %arg8[%get3A_810, %get3A_811] {strides = array<i32>} : memref<2x512xf32, #tpu.memory_space<vmem>>, vector<1x16xf32>,
        %get3A_813 = vector.shape_cast %get3A_812 : vector<1x16xf32> to vector<16xf32>
        %get3A_814 = arith.constant 1 : i32
        %get3A_815 = arith.index_cast %get3A_814 : i32 to index
        %get3A_816 = arith.constant 464 : index
        %get3A_817 = tpu.vector_load %arg8[%get3A_815, %get3A_816] {strides = array<i32>} : memref<2x512xf32, #tpu.memory_space<vmem>>, vector<1x16xf32>,
        %get3A_818 = vector.shape_cast %get3A_817 : vector<1x16xf32> to vector<16xf32>
        %get3A_819 = arith.constant 1 : i32
        %get3A_820 = arith.index_cast %get3A_819 : i32 to index
        %get3A_821 = arith.constant 480 : index
        %get3A_822 = tpu.vector_load %arg8[%get3A_820, %get3A_821] {strides = array<i32>} : memref<2x512xf32, #tpu.memory_space<vmem>>, vector<1x16xf32>,
        %get3A_823 = vector.shape_cast %get3A_822 : vector<1x16xf32> to vector<16xf32>
        %get3A_824 = arith.constant 1 : i32
        %get3A_825 = arith.index_cast %get3A_824 : i32 to index
        %get3A_826 = arith.constant 496 : index
        %get3A_827 = tpu.vector_load %arg8[%get3A_825, %get3A_826] {strides = array<i32>} : memref<2x512xf32, #tpu.memory_space<vmem>>, vector<1x16xf32>,
        %get3A_828 = vector.shape_cast %get3A_827 : vector<1x16xf32> to vector<16xf32>
        %scan3A_829 = arith.constant 0 : i32
        %scan3A_830 = arith.constant 0 : i32
        %scan3A_831 = arith.constant 64 : i32
        %scan3A_832 = arith.addi %scan3A_830, %scan3A_831 : i32
        %scan3A_833 = arith.constant 1 : i32
        scf.for %scan3A_835 = %scan3A_830 to %scan3A_832 step %scan3A_833  : i32 {
          %swap3A = arith.index_cast %scan3A_835 : i32 to index
          %swap3A_836 = arith.constant 0 : index
          %swap3A_837 = tpu.vector_load %arg11[%swap3A, %swap3A_836] {strides = array<i32>} : memref<64x512xf32, #tpu.memory_space<vmem>>, vector<1x16xf32>,
          %swap3A_838 = vector.shape_cast %swap3A_837 : vector<1x16xf32> to vector<16xf32>
          %swap3A_839 = vector.shape_cast %get3A_673 : vector<16xf32> to vector<1x16xf32>
          tpu.vector_store %arg11[%swap3A, %swap3A_836], %swap3A_839 {strides = array<i32>} : memref<64x512xf32, #tpu.memory_space<vmem>>, vector<1x16xf32>,
          %swap3A_840 = arith.index_cast %scan3A_835 : i32 to index
          %swap3A_841 = arith.constant 16 : index
          %swap3A_842 = tpu.vector_load %arg11[%swap3A_840, %swap3A_841] {strides = array<i32>} : memref<64x512xf32, #tpu.memory_space<vmem>>, vector<1x16xf32>,
          %swap3A_843 = vector.shape_cast %swap3A_842 : vector<1x16xf32> to vector<16xf32>
          %swap3A_844 = vector.shape_cast %get3A_678 : vector<16xf32> to vector<1x16xf32>
          tpu.vector_store %arg11[%swap3A_840, %swap3A_841], %swap3A_844 {strides = array<i32>} : memref<64x512xf32, #tpu.memory_space<vmem>>, vector<1x16xf32>,
          %swap3A_845 = arith.index_cast %scan3A_835 : i32 to index
          %swap3A_846 = arith.constant 32 : index
          %swap3A_847 = tpu.vector_load %arg11[%swap3A_845, %swap3A_846] {strides = array<i32>} : memref<64x512xf32, #tpu.memory_space<vmem>>, vector<1x16xf32>,
          %swap3A_848 = vector.shape_cast %swap3A_847 : vector<1x16xf32> to vector<16xf32>
          %swap3A_849 = vector.shape_cast %get3A_683 : vector<16xf32> to vector<1x16xf32>
          tpu.vector_store %arg11[%swap3A_845, %swap3A_846], %swap3A_849 {strides = array<i32>} : memref<64x512xf32, #tpu.memory_space<vmem>>, vector<1x16xf32>,
          %swap3A_850 = arith.index_cast %scan3A_835 : i32 to index
          %swap3A_851 = arith.constant 48 : index
          %swap3A_852 = tpu.vector_load %arg11[%swap3A_850, %swap3A_851] {strides = array<i32>} : memref<64x512xf32, #tpu.memory_space<vmem>>, vector<1x16xf32>,
          %swap3A_853 = vector.shape_cast %swap3A_852 : vector<1x16xf32> to vector<16xf32>
          %swap3A_854 = vector.shape_cast %get3A_688 : vector<16xf32> to vector<1x16xf32>
          tpu.vector_store %arg11[%swap3A_850, %swap3A_851], %swap3A_854 {strides = array<i32>} : memref<64x512xf32, #tpu.memory_space<vmem>>, vector<1x16xf32>,
          %swap3A_855 = arith.index_cast %scan3A_835 : i32 to index
          %swap3A_856 = arith.constant 64 : index
          %swap3A_857 = tpu.vector_load %arg11[%swap3A_855, %swap3A_856] {strides = array<i32>} : memref<64x512xf32, #tpu.memory_space<vmem>>, vector<1x16xf32>,
          %swap3A_858 = vector.shape_cast %swap3A_857 : vector<1x16xf32> to vector<16xf32>
          %swap3A_859 = vector.shape_cast %get3A_693 : vector<16xf32> to vector<1x16xf32>
          tpu.vector_store %arg11[%swap3A_855, %swap3A_856], %swap3A_859 {strides = array<i32>} : memref<64x512xf32, #tpu.memory_space<vmem>>, vector<1x16xf32>,
          %swap3A_860 = arith.index_cast %scan3A_835 : i32 to index
          %swap3A_861 = arith.constant 80 : index
          %swap3A_862 = tpu.vector_load %arg11[%swap3A_860, %swap3A_861] {strides = array<i32>} : memref<64x512xf32, #tpu.memory_space<vmem>>, vector<1x16xf32>,
          %swap3A_863 = vector.shape_cast %swap3A_862 : vector<1x16xf32> to vector<16xf32>
          %swap3A_864 = vector.shape_cast %get3A_698 : vector<16xf32> to vector<1x16xf32>
          tpu.vector_store %arg11[%swap3A_860, %swap3A_861], %swap3A_864 {strides = array<i32>} : memref<64x512xf32, #tpu.memory_space<vmem>>, vector<1x16xf32>,
          %swap3A_865 = arith.index_cast %scan3A_835 : i32 to index
          %swap3A_866 = arith.constant 96 : index
          %swap3A_867 = tpu.vector_load %arg11[%swap3A_865, %swap3A_866] {strides = array<i32>} : memref<64x512xf32, #tpu.memory_space<vmem>>, vector<1x16xf32>,
          %swap3A_868 = vector.shape_cast %swap3A_867 : vector<1x16xf32> to vector<16xf32>
          %swap3A_869 = vector.shape_cast %get3A_703 : vector<16xf32> to vector<1x16xf32>
          tpu.vector_store %arg11[%swap3A_865, %swap3A_866], %swap3A_869 {strides = array<i32>} : memref<64x512xf32, #tpu.memory_space<vmem>>, vector<1x16xf32>,
          %swap3A_870 = arith.index_cast %scan3A_835 : i32 to index
          %swap3A_871 = arith.constant 112 : index
          %swap3A_872 = tpu.vector_load %arg11[%swap3A_870, %swap3A_871] {strides = array<i32>} : memref<64x512xf32, #tpu.memory_space<vmem>>, vector<1x16xf32>,
          %swap3A_873 = vector.shape_cast %swap3A_872 : vector<1x16xf32> to vector<16xf32>
          %swap3A_874 = vector.shape_cast %get3A_708 : vector<16xf32> to vector<1x16xf32>
          tpu.vector_store %arg11[%swap3A_870, %swap3A_871], %swap3A_874 {strides = array<i32>} : memref<64x512xf32, #tpu.memory_space<vmem>>, vector<1x16xf32>,
          %swap3A_875 = arith.index_cast %scan3A_835 : i32 to index
          %swap3A_876 = arith.constant 128 : index
          %swap3A_877 = tpu.vector_load %arg11[%swap3A_875, %swap3A_876] {strides = array<i32>} : memref<64x512xf32, #tpu.memory_space<vmem>>, vector<1x16xf32>,
          %swap3A_878 = vector.shape_cast %swap3A_877 : vector<1x16xf32> to vector<16xf32>
          %swap3A_879 = vector.shape_cast %get3A_713 : vector<16xf32> to vector<1x16xf32>
          tpu.vector_store %arg11[%swap3A_875, %swap3A_876], %swap3A_879 {strides = array<i32>} : memref<64x512xf32, #tpu.memory_space<vmem>>, vector<1x16xf32>,
          %swap3A_880 = arith.index_cast %scan3A_835 : i32 to index
          %swap3A_881 = arith.constant 144 : index
          %swap3A_882 = tpu.vector_load %arg11[%swap3A_880, %swap3A_881] {strides = array<i32>} : memref<64x512xf32, #tpu.memory_space<vmem>>, vector<1x16xf32>,
          %swap3A_883 = vector.shape_cast %swap3A_882 : vector<1x16xf32> to vector<16xf32>
          %swap3A_884 = vector.shape_cast %get3A_718 : vector<16xf32> to vector<1x16xf32>
          tpu.vector_store %arg11[%swap3A_880, %swap3A_881], %swap3A_884 {strides = array<i32>} : memref<64x512xf32, #tpu.memory_space<vmem>>, vector<1x16xf32>,
          %swap3A_885 = arith.index_cast %scan3A_835 : i32 to index
          %swap3A_886 = arith.constant 160 : index
          %swap3A_887 = tpu.vector_load %arg11[%swap3A_885, %swap3A_886] {strides = array<i32>} : memref<64x512xf32, #tpu.memory_space<vmem>>, vector<1x16xf32>,
          %swap3A_888 = vector.shape_cast %swap3A_887 : vector<1x16xf32> to vector<16xf32>
          %swap3A_889 = vector.shape_cast %get3A_723 : vector<16xf32> to vector<1x16xf32>
          tpu.vector_store %arg11[%swap3A_885, %swap3A_886], %swap3A_889 {strides = array<i32>} : memref<64x512xf32, #tpu.memory_space<vmem>>, vector<1x16xf32>,
          %swap3A_890 = arith.index_cast %scan3A_835 : i32 to index
          %swap3A_891 = arith.constant 176 : index
          %swap3A_892 = tpu.vector_load %arg11[%swap3A_890, %swap3A_891] {strides = array<i32>} : memref<64x512xf32, #tpu.memory_space<vmem>>, vector<1x16xf32>,
          %swap3A_893 = vector.shape_cast %swap3A_892 : vector<1x16xf32> to vector<16xf32>
          %swap3A_894 = vector.shape_cast %get3A_728 : vector<16xf32> to vector<1x16xf32>
          tpu.vector_store %arg11[%swap3A_890, %swap3A_891], %swap3A_894 {strides = array<i32>} : memref<64x512xf32, #tpu.memory_space<vmem>>, vector<1x16xf32>,
          %swap3A_895 = arith.index_cast %scan3A_835 : i32 to index
          %swap3A_896 = arith.constant 192 : index
          %swap3A_897 = tpu.vector_load %arg11[%swap3A_895, %swap3A_896] {strides = array<i32>} : memref<64x512xf32, #tpu.memory_space<vmem>>, vector<1x16xf32>,
          %swap3A_898 = vector.shape_cast %swap3A_897 : vector<1x16xf32> to vector<16xf32>
          %swap3A_899 = vector.shape_cast %get3A_733 : vector<16xf32> to vector<1x16xf32>
          tpu.vector_store %arg11[%swap3A_895, %swap3A_896], %swap3A_899 {strides = array<i32>} : memref<64x512xf32, #tpu.memory_space<vmem>>, vector<1x16xf32>,
          %swap3A_900 = arith.index_cast %scan3A_835 : i32 to index
          %swap3A_901 = arith.constant 208 : index
          %swap3A_902 = tpu.vector_load %arg11[%swap3A_900, %swap3A_901] {strides = array<i32>} : memref<64x512xf32, #tpu.memory_space<vmem>>, vector<1x16xf32>,
          %swap3A_903 = vector.shape_cast %swap3A_902 : vector<1x16xf32> to vector<16xf32>
          %swap3A_904 = vector.shape_cast %get3A_738 : vector<16xf32> to vector<1x16xf32>
          tpu.vector_store %arg11[%swap3A_900, %swap3A_901], %swap3A_904 {strides = array<i32>} : memref<64x512xf32, #tpu.memory_space<vmem>>, vector<1x16xf32>,
          %swap3A_905 = arith.index_cast %scan3A_835 : i32 to index
          %swap3A_906 = arith.constant 224 : index
          %swap3A_907 = tpu.vector_load %arg11[%swap3A_905, %swap3A_906] {strides = array<i32>} : memref<64x512xf32, #tpu.memory_space<vmem>>, vector<1x16xf32>,
          %swap3A_908 = vector.shape_cast %swap3A_907 : vector<1x16xf32> to vector<16xf32>
          %swap3A_909 = vector.shape_cast %get3A_743 : vector<16xf32> to vector<1x16xf32>
          tpu.vector_store %arg11[%swap3A_905, %swap3A_906], %swap3A_909 {strides = array<i32>} : memref<64x512xf32, #tpu.memory_space<vmem>>, vector<1x16xf32>,
          %swap3A_910 = arith.index_cast %scan3A_835 : i32 to index
          %swap3A_911 = arith.constant 240 : index
          %swap3A_912 = tpu.vector_load %arg11[%swap3A_910, %swap3A_911] {strides = array<i32>} : memref<64x512xf32, #tpu.memory_space<vmem>>, vector<1x16xf32>,
          %swap3A_913 = vector.shape_cast %swap3A_912 : vector<1x16xf32> to vector<16xf32>
          %swap3A_914 = vector.shape_cast %get3A_748 : vector<16xf32> to vector<1x16xf32>
          tpu.vector_store %arg11[%swap3A_910, %swap3A_911], %swap3A_914 {strides = array<i32>} : memref<64x512xf32, #tpu.memory_space<vmem>>, vector<1x16xf32>,
          %swap3A_915 = arith.index_cast %scan3A_835 : i32 to index
          %swap3A_916 = arith.constant 256 : index
          %swap3A_917 = tpu.vector_load %arg11[%swap3A_915, %swap3A_916] {strides = array<i32>} : memref<64x512xf32, #tpu.memory_space<vmem>>, vector<1x16xf32>,
          %swap3A_918 = vector.shape_cast %swap3A_917 : vector<1x16xf32> to vector<16xf32>
          %swap3A_919 = vector.shape_cast %get3A_753 : vector<16xf32> to vector<1x16xf32>
          tpu.vector_store %arg11[%swap3A_915, %swap3A_916], %swap3A_919 {strides = array<i32>} : memref<64x512xf32, #tpu.memory_space<vmem>>, vector<1x16xf32>,
          %swap3A_920 = arith.index_cast %scan3A_835 : i32 to index
          %swap3A_921 = arith.constant 272 : index
          %swap3A_922 = tpu.vector_load %arg11[%swap3A_920, %swap3A_921] {strides = array<i32>} : memref<64x512xf32, #tpu.memory_space<vmem>>, vector<1x16xf32>,
          %swap3A_923 = vector.shape_cast %swap3A_922 : vector<1x16xf32> to vector<16xf32>
          %swap3A_924 = vector.shape_cast %get3A_758 : vector<16xf32> to vector<1x16xf32>
          tpu.vector_store %arg11[%swap3A_920, %swap3A_921], %swap3A_924 {strides = array<i32>} : memref<64x512xf32, #tpu.memory_space<vmem>>, vector<1x16xf32>,
          %swap3A_925 = arith.index_cast %scan3A_835 : i32 to index
          %swap3A_926 = arith.constant 288 : index
          %swap3A_927 = tpu.vector_load %arg11[%swap3A_925, %swap3A_926] {strides = array<i32>} : memref<64x512xf32, #tpu.memory_space<vmem>>, vector<1x16xf32>,
          %swap3A_928 = vector.shape_cast %swap3A_927 : vector<1x16xf32> to vector<16xf32>
          %swap3A_929 = vector.shape_cast %get3A_763 : vector<16xf32> to vector<1x16xf32>
          tpu.vector_store %arg11[%swap3A_925, %swap3A_926], %swap3A_929 {strides = array<i32>} : memref<64x512xf32, #tpu.memory_space<vmem>>, vector<1x16xf32>,
          %swap3A_930 = arith.index_cast %scan3A_835 : i32 to index
          %swap3A_931 = arith.constant 304 : index
          %swap3A_932 = tpu.vector_load %arg11[%swap3A_930, %swap3A_931] {strides = array<i32>} : memref<64x512xf32, #tpu.memory_space<vmem>>, vector<1x16xf32>,
          %swap3A_933 = vector.shape_cast %swap3A_932 : vector<1x16xf32> to vector<16xf32>
          %swap3A_934 = vector.shape_cast %get3A_768 : vector<16xf32> to vector<1x16xf32>
          tpu.vector_store %arg11[%swap3A_930, %swap3A_931], %swap3A_934 {strides = array<i32>} : memref<64x512xf32, #tpu.memory_space<vmem>>, vector<1x16xf32>,
          %swap3A_935 = arith.index_cast %scan3A_835 : i32 to index
          %swap3A_936 = arith.constant 320 : index
          %swap3A_937 = tpu.vector_load %arg11[%swap3A_935, %swap3A_936] {strides = array<i32>} : memref<64x512xf32, #tpu.memory_space<vmem>>, vector<1x16xf32>,
          %swap3A_938 = vector.shape_cast %swap3A_937 : vector<1x16xf32> to vector<16xf32>
          %swap3A_939 = vector.shape_cast %get3A_773 : vector<16xf32> to vector<1x16xf32>
          tpu.vector_store %arg11[%swap3A_935, %swap3A_936], %swap3A_939 {strides = array<i32>} : memref<64x512xf32, #tpu.memory_space<vmem>>, vector<1x16xf32>,
          %swap3A_940 = arith.index_cast %scan3A_835 : i32 to index
          %swap3A_941 = arith.constant 336 : index
          %swap3A_942 = tpu.vector_load %arg11[%swap3A_940, %swap3A_941] {strides = array<i32>} : memref<64x512xf32, #tpu.memory_space<vmem>>, vector<1x16xf32>,
          %swap3A_943 = vector.shape_cast %swap3A_942 : vector<1x16xf32> to vector<16xf32>
          %swap3A_944 = vector.shape_cast %get3A_778 : vector<16xf32> to vector<1x16xf32>
          tpu.vector_store %arg11[%swap3A_940, %swap3A_941], %swap3A_944 {strides = array<i32>} : memref<64x512xf32, #tpu.memory_space<vmem>>, vector<1x16xf32>,
          %swap3A_945 = arith.index_cast %scan3A_835 : i32 to index
          %swap3A_946 = arith.constant 352 : index
          %swap3A_947 = tpu.vector_load %arg11[%swap3A_945, %swap3A_946] {strides = array<i32>} : memref<64x512xf32, #tpu.memory_space<vmem>>, vector<1x16xf32>,
          %swap3A_948 = vector.shape_cast %swap3A_947 : vector<1x16xf32> to vector<16xf32>
          %swap3A_949 = vector.shape_cast %get3A_783 : vector<16xf32> to vector<1x16xf32>
          tpu.vector_store %arg11[%swap3A_945, %swap3A_946], %swap3A_949 {strides = array<i32>} : memref<64x512xf32, #tpu.memory_space<vmem>>, vector<1x16xf32>,
          %swap3A_950 = arith.index_cast %scan3A_835 : i32 to index
          %swap3A_951 = arith.constant 368 : index
          %swap3A_952 = tpu.vector_load %arg11[%swap3A_950, %swap3A_951] {strides = array<i32>} : memref<64x512xf32, #tpu.memory_space<vmem>>, vector<1x16xf32>,
          %swap3A_953 = vector.shape_cast %swap3A_952 : vector<1x16xf32> to vector<16xf32>
          %swap3A_954 = vector.shape_cast %get3A_788 : vector<16xf32> to vector<1x16xf32>
          tpu.vector_store %arg11[%swap3A_950, %swap3A_951], %swap3A_954 {strides = array<i32>} : memref<64x512xf32, #tpu.memory_space<vmem>>, vector<1x16xf32>,
          %swap3A_955 = arith.index_cast %scan3A_835 : i32 to index
          %swap3A_956 = arith.constant 384 : index
          %swap3A_957 = tpu.vector_load %arg11[%swap3A_955, %swap3A_956] {strides = array<i32>} : memref<64x512xf32, #tpu.memory_space<vmem>>, vector<1x16xf32>,
          %swap3A_958 = vector.shape_cast %swap3A_957 : vector<1x16xf32> to vector<16xf32>
          %swap3A_959 = vector.shape_cast %get3A_793 : vector<16xf32> to vector<1x16xf32>
          tpu.vector_store %arg11[%swap3A_955, %swap3A_956], %swap3A_959 {strides = array<i32>} : memref<64x512xf32, #tpu.memory_space<vmem>>, vector<1x16xf32>,
          %swap3A_960 = arith.index_cast %scan3A_835 : i32 to index
          %swap3A_961 = arith.constant 400 : index
          %swap3A_962 = tpu.vector_load %arg11[%swap3A_960, %swap3A_961] {strides = array<i32>} : memref<64x512xf32, #tpu.memory_space<vmem>>, vector<1x16xf32>,
          %swap3A_963 = vector.shape_cast %swap3A_962 : vector<1x16xf32> to vector<16xf32>
          %swap3A_964 = vector.shape_cast %get3A_798 : vector<16xf32> to vector<1x16xf32>
          tpu.vector_store %arg11[%swap3A_960, %swap3A_961], %swap3A_964 {strides = array<i32>} : memref<64x512xf32, #tpu.memory_space<vmem>>, vector<1x16xf32>,
          %swap3A_965 = arith.index_cast %scan3A_835 : i32 to index
          %swap3A_966 = arith.constant 416 : index
          %swap3A_967 = tpu.vector_load %arg11[%swap3A_965, %swap3A_966] {strides = array<i32>} : memref<64x512xf32, #tpu.memory_space<vmem>>, vector<1x16xf32>,
          %swap3A_968 = vector.shape_cast %swap3A_967 : vector<1x16xf32> to vector<16xf32>
          %swap3A_969 = vector.shape_cast %get3A_803 : vector<16xf32> to vector<1x16xf32>
          tpu.vector_store %arg11[%swap3A_965, %swap3A_966], %swap3A_969 {strides = array<i32>} : memref<64x512xf32, #tpu.memory_space<vmem>>, vector<1x16xf32>,
          %swap3A_970 = arith.index_cast %scan3A_835 : i32 to index
          %swap3A_971 = arith.constant 432 : index
          %swap3A_972 = tpu.vector_load %arg11[%swap3A_970, %swap3A_971] {strides = array<i32>} : memref<64x512xf32, #tpu.memory_space<vmem>>, vector<1x16xf32>,
          %swap3A_973 = vector.shape_cast %swap3A_972 : vector<1x16xf32> to vector<16xf32>
          %swap3A_974 = vector.shape_cast %get3A_808 : vector<16xf32> to vector<1x16xf32>
          tpu.vector_store %arg11[%swap3A_970, %swap3A_971], %swap3A_974 {strides = array<i32>} : memref<64x512xf32, #tpu.memory_space<vmem>>, vector<1x16xf32>,
          %swap3A_975 = arith.index_cast %scan3A_835 : i32 to index
          %swap3A_976 = arith.constant 448 : index
          %swap3A_977 = tpu.vector_load %arg11[%swap3A_975, %swap3A_976] {strides = array<i32>} : memref<64x512xf32, #tpu.memory_space<vmem>>, vector<1x16xf32>,
          %swap3A_978 = vector.shape_cast %swap3A_977 : vector<1x16xf32> to vector<16xf32>
          %swap3A_979 = vector.shape_cast %get3A_813 : vector<16xf32> to vector<1x16xf32>
          tpu.vector_store %arg11[%swap3A_975, %swap3A_976], %swap3A_979 {strides = array<i32>} : memref<64x512xf32, #tpu.memory_space<vmem>>, vector<1x16xf32>,
          %swap3A_980 = arith.index_cast %scan3A_835 : i32 to index
          %swap3A_981 = arith.constant 464 : index
          %swap3A_982 = tpu.vector_load %arg11[%swap3A_980, %swap3A_981] {strides = array<i32>} : memref<64x512xf32, #tpu.memory_space<vmem>>, vector<1x16xf32>,
          %swap3A_983 = vector.shape_cast %swap3A_982 : vector<1x16xf32> to vector<16xf32>
          %swap3A_984 = vector.shape_cast %get3A_818 : vector<16xf32> to vector<1x16xf32>
          tpu.vector_store %arg11[%swap3A_980, %swap3A_981], %swap3A_984 {strides = array<i32>} : memref<64x512xf32, #tpu.memory_space<vmem>>, vector<1x16xf32>,
          %swap3A_985 = arith.index_cast %scan3A_835 : i32 to index
          %swap3A_986 = arith.constant 480 : index
          %swap3A_987 = tpu.vector_load %arg11[%swap3A_985, %swap3A_986] {strides = array<i32>} : memref<64x512xf32, #tpu.memory_space<vmem>>, vector<1x16xf32>,
          %swap3A_988 = vector.shape_cast %swap3A_987 : vector<1x16xf32> to vector<16xf32>
          %swap3A_989 = vector.shape_cast %get3A_823 : vector<16xf32> to vector<1x16xf32>
          tpu.vector_store %arg11[%swap3A_985, %swap3A_986], %swap3A_989 {strides = array<i32>} : memref<64x512xf32, #tpu.memory_space<vmem>>, vector<1x16xf32>,
          %swap3A_990 = arith.index_cast %scan3A_835 : i32 to index
          %swap3A_991 = arith.constant 496 : index
          %swap3A_992 = tpu.vector_load %arg11[%swap3A_990, %swap3A_991] {strides = array<i32>} : memref<64x512xf32, #tpu.memory_space<vmem>>, vector<1x16xf32>,
          %swap3A_993 = vector.shape_cast %swap3A_992 : vector<1x16xf32> to vector<16xf32>
          %swap3A_994 = vector.shape_cast %get3A_828 : vector<16xf32> to vector<1x16xf32>
          tpu.vector_store %arg11[%swap3A_990, %swap3A_991], %swap3A_994 {strides = array<i32>} : memref<64x512xf32, #tpu.memory_space<vmem>>, vector<1x16xf32>,
        }
        %scan3A_834 = arith.constant 64 : i32
      } else {
      }
      %mul3A_437 = arith.constant 64 : i32
      %mul3A_438 = arith.muli %add3A_427, %mul3A_437 : i32
      %dma_start3A_439 = arith.constant 512 : i32
      %dma_start3A_440 = tpu.memref_slice %arg6[%mul3A_438, %dma_start3A_439] : memref<69632x1024xf32, #tpu.memory_space<hbm>> -> memref<64x512xf32, #tpu.memory_space<hbm>>
      %dma_start3A_441 = arith.constant 512 : i32
      %dma_start3A_442 = tpu.memref_slice %arg6[%mul3A_438, %dma_start3A_441] : memref<69632x1024xf32, #tpu.memory_space<hbm>> -> memref<64x512xf32, #tpu.memory_space<hbm>>
      tpu.enqueue_dma source(%arg11 : memref<64x512xf32, #tpu.memory_space<vmem>>) target(%dma_start3A_442 : memref<64x512xf32, #tpu.memory_space<hbm>>) target_semaphore(%arg15 : memref<!tpu.dma_semaphore, #tpu.memory_space<semaphore_mem>>)
      %gt3A_443 = arith.cmpi sgt, %add3A_427, %mul3A_2 : i32
      %convert_element_type3A_444 = arith.extui %gt3A_443 : i1 to i32
      %cond3A_445 = arith.constant 0 : i32
      %cond3A_446 = arith.cmpi ne, %convert_element_type3A_444, %cond3A_445 : i32
      scf.if %cond3A_446 {
        %mul3A_669 = arith.constant 64 : i32
        %mul3A_670 = arith.muli %add3A_427, %mul3A_669 : i32
        %dma_wait3A_671 = arith.constant 256 : i32
        %dma_wait3A_672 = tpu.memref_slice %arg6[%mul3A_670, %dma_wait3A_671] : memref<69632x1024xf32, #tpu.memory_space<hbm>> -> memref<64x256xf32, #tpu.memory_space<hbm>>
        tpu.wait_dma2 semaphore(%arg16 : memref<!tpu.dma_semaphore, #tpu.memory_space<semaphore_mem>>) src(%arg12 : memref<64x256xf32, #tpu.memory_space<vmem_shared>>) dst(%dma_wait3A_672 : memref<64x256xf32, #tpu.memory_space<hbm>>)
      } else {
      }
      %mul3A_447 = arith.constant 64 : i32
      %mul3A_448 = arith.muli %add3A_427, %mul3A_447 : i32
      %dma_start3A_449 = arith.constant 256 : i32
      %dma_start3A_450 = tpu.memref_slice %arg6[%mul3A_448, %dma_start3A_449] : memref<69632x1024xf32, #tpu.memory_space<hbm>> -> memref<64x256xf32, #tpu.memory_space<hbm>>
      tpu.enqueue_dma source(%arg12 : memref<64x256xf32, #tpu.memory_space<vmem_shared>>) target(%dma_start3A_450 : memref<64x256xf32, #tpu.memory_space<hbm>>) target_semaphore(%arg16 : memref<!tpu.dma_semaphore, #tpu.memory_space<semaphore_mem>>)
      %add3A_451 = arith.constant 1 : i32
      %add3A_452 = arith.addi %mul3A_2, %add3A_451 : i32
      %gt3A_453 = arith.cmpi sgt, %add3A_427, %add3A_452 : i32
      %convert_element_type3A_454 = arith.extui %gt3A_453 : i1 to i32
      %cond3A_455 = arith.constant 0 : i32
      %cond3A_456 = arith.cmpi ne, %convert_element_type3A_454, %cond3A_455 : i32
      scf.if %cond3A_456 {
        %mul3A_669 = arith.constant 64 : i32
        %mul3A_670 = arith.muli %add3A_427, %mul3A_669 : i32
        %dma_wait3A_671 = arith.constant 0 : i32
        %dma_wait3A_672 = tpu.memref_slice %arg6[%mul3A_670, %dma_wait3A_671] : memref<69632x1024xf32, #tpu.memory_space<hbm>> -> memref<64x256xf32, #tpu.memory_space<hbm>>
        %dma_wait3A_673 = arith.constant 0 : i32
        %dma_wait3A_674 = tpu.memref_slice %arg6[%mul3A_670, %dma_wait3A_673] : memref<69632x1024xf32, #tpu.memory_space<hbm>> -> memref<64x256xf32, #tpu.memory_space<hbm>>
        tpu.wait_dma2 semaphore(%arg13 : memref<!tpu.dma_semaphore, #tpu.memory_space<semaphore_mem>>) src(%arg9 : memref<64x256xf32, #tpu.memory_space<vmem>>) dst(%dma_wait3A_674 : memref<64x256xf32, #tpu.memory_space<hbm>>)
      } else {
      }
      %jit3A_457 = arith.constant 64 : i32
      %eq3A_458 = arith.constant 0 : i32
      %eq3A_459 = arith.cmpi eq, %jit3A_457, %eq3A_458 : i32
      %jit3A_460 = arith.constant 1 : i32
      %select_n3A_461 = arith.select %eq3A_459, %jit3A_460, %jit3A_457 : i32
      %rem3A_462 = arith.remsi %add3A_427, %select_n3A_461 : i32
      %ne3A_463 = arith.constant 0 : i32
      %ne3A_464 = arith.cmpi ne, %rem3A_462, %ne3A_463 : i32
      %lt3A_465 = arith.constant 0 : i32
      %lt3A_466 = arith.cmpi slt, %rem3A_462, %lt3A_465 : i32
      %lt3A_467 = arith.constant 0 : i32
      %lt3A_468 = arith.cmpi slt, %select_n3A_461, %lt3A_467 : i32
      %ne3A_469 = arith.xori %lt3A_466, %lt3A_468 : i1
      %and3A_470 = arith.andi %ne3A_469, %ne3A_464 : i1
      %add3A_471 = arith.addi %rem3A_462, %select_n3A_461 : i32
      %select_n3A_472 = arith.select %and3A_470, %add3A_471, %rem3A_462 : i32
      %get3A_473 = arith.index_cast %select_n3A_472 : i32 to index
      %get3A_474 = arith.constant 0 : index
      %get3A_475 = tpu.vector_load %arg7[%get3A_473, %get3A_474] {strides = array<i32>} : memref<64x256xf32, #tpu.memory_space<vmem>>, vector<1x16xf32>,
      %get3A_476 = vector.shape_cast %get3A_475 : vector<1x16xf32> to vector<16xf32>
      %get3A_477 = arith.index_cast %select_n3A_472 : i32 to index
      %get3A_478 = arith.constant 16 : index
      %get3A_479 = tpu.vector_load %arg7[%get3A_477, %get3A_478] {strides = array<i32>} : memref<64x256xf32, #tpu.memory_space<vmem>>, vector<1x16xf32>,
      %get3A_480 = vector.shape_cast %get3A_479 : vector<1x16xf32> to vector<16xf32>
      %get3A_481 = arith.index_cast %select_n3A_472 : i32 to index
      %get3A_482 = arith.constant 32 : index
      %get3A_483 = tpu.vector_load %arg7[%get3A_481, %get3A_482] {strides = array<i32>} : memref<64x256xf32, #tpu.memory_space<vmem>>, vector<1x16xf32>,
      %get3A_484 = vector.shape_cast %get3A_483 : vector<1x16xf32> to vector<16xf32>
      %get3A_485 = arith.index_cast %select_n3A_472 : i32 to index
      %get3A_486 = arith.constant 48 : index
      %get3A_487 = tpu.vector_load %arg7[%get3A_485, %get3A_486] {strides = array<i32>} : memref<64x256xf32, #tpu.memory_space<vmem>>, vector<1x16xf32>,
      %get3A_488 = vector.shape_cast %get3A_487 : vector<1x16xf32> to vector<16xf32>
      %get3A_489 = arith.index_cast %select_n3A_472 : i32 to index
      %get3A_490 = arith.constant 64 : index
      %get3A_491 = tpu.vector_load %arg7[%get3A_489, %get3A_490] {strides = array<i32>} : memref<64x256xf32, #tpu.memory_space<vmem>>, vector<1x16xf32>,
      %get3A_492 = vector.shape_cast %get3A_491 : vector<1x16xf32> to vector<16xf32>
      %get3A_493 = arith.index_cast %select_n3A_472 : i32 to index
      %get3A_494 = arith.constant 80 : index
      %get3A_495 = tpu.vector_load %arg7[%get3A_493, %get3A_494] {strides = array<i32>} : memref<64x256xf32, #tpu.memory_space<vmem>>, vector<1x16xf32>,
      %get3A_496 = vector.shape_cast %get3A_495 : vector<1x16xf32> to vector<16xf32>
      %get3A_497 = arith.index_cast %select_n3A_472 : i32 to index
      %get3A_498 = arith.constant 96 : index
      %get3A_499 = tpu.vector_load %arg7[%get3A_497, %get3A_498] {strides = array<i32>} : memref<64x256xf32, #tpu.memory_space<vmem>>, vector<1x16xf32>,
      %get3A_500 = vector.shape_cast %get3A_499 : vector<1x16xf32> to vector<16xf32>
      %get3A_501 = arith.index_cast %select_n3A_472 : i32 to index
      %get3A_502 = arith.constant 112 : index
      %get3A_503 = tpu.vector_load %arg7[%get3A_501, %get3A_502] {strides = array<i32>} : memref<64x256xf32, #tpu.memory_space<vmem>>, vector<1x16xf32>,
      %get3A_504 = vector.shape_cast %get3A_503 : vector<1x16xf32> to vector<16xf32>
      %get3A_505 = arith.index_cast %select_n3A_472 : i32 to index
      %get3A_506 = arith.constant 128 : index
      %get3A_507 = tpu.vector_load %arg7[%get3A_505, %get3A_506] {strides = array<i32>} : memref<64x256xf32, #tpu.memory_space<vmem>>, vector<1x16xf32>,
      %get3A_508 = vector.shape_cast %get3A_507 : vector<1x16xf32> to vector<16xf32>
      %get3A_509 = arith.index_cast %select_n3A_472 : i32 to index
      %get3A_510 = arith.constant 144 : index
      %get3A_511 = tpu.vector_load %arg7[%get3A_509, %get3A_510] {strides = array<i32>} : memref<64x256xf32, #tpu.memory_space<vmem>>, vector<1x16xf32>,
      %get3A_512 = vector.shape_cast %get3A_511 : vector<1x16xf32> to vector<16xf32>
      %get3A_513 = arith.index_cast %select_n3A_472 : i32 to index
      %get3A_514 = arith.constant 160 : index
      %get3A_515 = tpu.vector_load %arg7[%get3A_513, %get3A_514] {strides = array<i32>} : memref<64x256xf32, #tpu.memory_space<vmem>>, vector<1x16xf32>,
      %get3A_516 = vector.shape_cast %get3A_515 : vector<1x16xf32> to vector<16xf32>
      %get3A_517 = arith.index_cast %select_n3A_472 : i32 to index
      %get3A_518 = arith.constant 176 : index
      %get3A_519 = tpu.vector_load %arg7[%get3A_517, %get3A_518] {strides = array<i32>} : memref<64x256xf32, #tpu.memory_space<vmem>>, vector<1x16xf32>,
      %get3A_520 = vector.shape_cast %get3A_519 : vector<1x16xf32> to vector<16xf32>
      %get3A_521 = arith.index_cast %select_n3A_472 : i32 to index
      %get3A_522 = arith.constant 192 : index
      %get3A_523 = tpu.vector_load %arg7[%get3A_521, %get3A_522] {strides = array<i32>} : memref<64x256xf32, #tpu.memory_space<vmem>>, vector<1x16xf32>,
      %get3A_524 = vector.shape_cast %get3A_523 : vector<1x16xf32> to vector<16xf32>
      %get3A_525 = arith.index_cast %select_n3A_472 : i32 to index
      %get3A_526 = arith.constant 208 : index
      %get3A_527 = tpu.vector_load %arg7[%get3A_525, %get3A_526] {strides = array<i32>} : memref<64x256xf32, #tpu.memory_space<vmem>>, vector<1x16xf32>,
      %get3A_528 = vector.shape_cast %get3A_527 : vector<1x16xf32> to vector<16xf32>
      %get3A_529 = arith.index_cast %select_n3A_472 : i32 to index
      %get3A_530 = arith.constant 224 : index
      %get3A_531 = tpu.vector_load %arg7[%get3A_529, %get3A_530] {strides = array<i32>} : memref<64x256xf32, #tpu.memory_space<vmem>>, vector<1x16xf32>,
      %get3A_532 = vector.shape_cast %get3A_531 : vector<1x16xf32> to vector<16xf32>
      %get3A_533 = arith.index_cast %select_n3A_472 : i32 to index
      %get3A_534 = arith.constant 240 : index
      %get3A_535 = tpu.vector_load %arg7[%get3A_533, %get3A_534] {strides = array<i32>} : memref<64x256xf32, #tpu.memory_space<vmem>>, vector<1x16xf32>,
      %get3A_536 = vector.shape_cast %get3A_535 : vector<1x16xf32> to vector<16xf32>
      %scan3A_537 = arith.constant 0 : i32
      %scan3A_538 = arith.constant 0 : i32
      %scan3A_539 = arith.constant 64 : i32
      %scan3A_540 = arith.addi %scan3A_538, %scan3A_539 : i32
      %scan3A_541 = arith.constant 1 : i32
      scf.for %scan3A_669 = %scan3A_538 to %scan3A_540 step %scan3A_541  : i32 {
        %swap3A = arith.index_cast %scan3A_669 : i32 to index
        %swap3A_670 = arith.constant 0 : index
        %swap3A_671 = tpu.vector_load %arg9[%swap3A, %swap3A_670] {strides = array<i32>} : memref<64x256xf32, #tpu.memory_space<vmem>>, vector<1x16xf32>,
        %swap3A_672 = vector.shape_cast %swap3A_671 : vector<1x16xf32> to vector<16xf32>
        %swap3A_673 = vector.shape_cast %get3A_476 : vector<16xf32> to vector<1x16xf32>
        tpu.vector_store %arg9[%swap3A, %swap3A_670], %swap3A_673 {strides = array<i32>} : memref<64x256xf32, #tpu.memory_space<vmem>>, vector<1x16xf32>,
        %swap3A_674 = arith.index_cast %scan3A_669 : i32 to index
        %swap3A_675 = arith.constant 16 : index
        %swap3A_676 = tpu.vector_load %arg9[%swap3A_674, %swap3A_675] {strides = array<i32>} : memref<64x256xf32, #tpu.memory_space<vmem>>, vector<1x16xf32>,
        %swap3A_677 = vector.shape_cast %swap3A_676 : vector<1x16xf32> to vector<16xf32>
        %swap3A_678 = vector.shape_cast %get3A_480 : vector<16xf32> to vector<1x16xf32>
        tpu.vector_store %arg9[%swap3A_674, %swap3A_675], %swap3A_678 {strides = array<i32>} : memref<64x256xf32, #tpu.memory_space<vmem>>, vector<1x16xf32>,
        %swap3A_679 = arith.index_cast %scan3A_669 : i32 to index
        %swap3A_680 = arith.constant 32 : index
        %swap3A_681 = tpu.vector_load %arg9[%swap3A_679, %swap3A_680] {strides = array<i32>} : memref<64x256xf32, #tpu.memory_space<vmem>>, vector<1x16xf32>,
        %swap3A_682 = vector.shape_cast %swap3A_681 : vector<1x16xf32> to vector<16xf32>
        %swap3A_683 = vector.shape_cast %get3A_484 : vector<16xf32> to vector<1x16xf32>
        tpu.vector_store %arg9[%swap3A_679, %swap3A_680], %swap3A_683 {strides = array<i32>} : memref<64x256xf32, #tpu.memory_space<vmem>>, vector<1x16xf32>,
        %swap3A_684 = arith.index_cast %scan3A_669 : i32 to index
        %swap3A_685 = arith.constant 48 : index
        %swap3A_686 = tpu.vector_load %arg9[%swap3A_684, %swap3A_685] {strides = array<i32>} : memref<64x256xf32, #tpu.memory_space<vmem>>, vector<1x16xf32>,
        %swap3A_687 = vector.shape_cast %swap3A_686 : vector<1x16xf32> to vector<16xf32>
        %swap3A_688 = vector.shape_cast %get3A_488 : vector<16xf32> to vector<1x16xf32>
        tpu.vector_store %arg9[%swap3A_684, %swap3A_685], %swap3A_688 {strides = array<i32>} : memref<64x256xf32, #tpu.memory_space<vmem>>, vector<1x16xf32>,
        %swap3A_689 = arith.index_cast %scan3A_669 : i32 to index
        %swap3A_690 = arith.constant 64 : index
        %swap3A_691 = tpu.vector_load %arg9[%swap3A_689, %swap3A_690] {strides = array<i32>} : memref<64x256xf32, #tpu.memory_space<vmem>>, vector<1x16xf32>,
        %swap3A_692 = vector.shape_cast %swap3A_691 : vector<1x16xf32> to vector<16xf32>
        %swap3A_693 = vector.shape_cast %get3A_492 : vector<16xf32> to vector<1x16xf32>
        tpu.vector_store %arg9[%swap3A_689, %swap3A_690], %swap3A_693 {strides = array<i32>} : memref<64x256xf32, #tpu.memory_space<vmem>>, vector<1x16xf32>,
        %swap3A_694 = arith.index_cast %scan3A_669 : i32 to index
        %swap3A_695 = arith.constant 80 : index
        %swap3A_696 = tpu.vector_load %arg9[%swap3A_694, %swap3A_695] {strides = array<i32>} : memref<64x256xf32, #tpu.memory_space<vmem>>, vector<1x16xf32>,
        %swap3A_697 = vector.shape_cast %swap3A_696 : vector<1x16xf32> to vector<16xf32>
        %swap3A_698 = vector.shape_cast %get3A_496 : vector<16xf32> to vector<1x16xf32>
        tpu.vector_store %arg9[%swap3A_694, %swap3A_695], %swap3A_698 {strides = array<i32>} : memref<64x256xf32, #tpu.memory_space<vmem>>, vector<1x16xf32>,
        %swap3A_699 = arith.index_cast %scan3A_669 : i32 to index
        %swap3A_700 = arith.constant 96 : index
        %swap3A_701 = tpu.vector_load %arg9[%swap3A_699, %swap3A_700] {strides = array<i32>} : memref<64x256xf32, #tpu.memory_space<vmem>>, vector<1x16xf32>,
        %swap3A_702 = vector.shape_cast %swap3A_701 : vector<1x16xf32> to vector<16xf32>
        %swap3A_703 = vector.shape_cast %get3A_500 : vector<16xf32> to vector<1x16xf32>
        tpu.vector_store %arg9[%swap3A_699, %swap3A_700], %swap3A_703 {strides = array<i32>} : memref<64x256xf32, #tpu.memory_space<vmem>>, vector<1x16xf32>,
        %swap3A_704 = arith.index_cast %scan3A_669 : i32 to index
        %swap3A_705 = arith.constant 112 : index
        %swap3A_706 = tpu.vector_load %arg9[%swap3A_704, %swap3A_705] {strides = array<i32>} : memref<64x256xf32, #tpu.memory_space<vmem>>, vector<1x16xf32>,
        %swap3A_707 = vector.shape_cast %swap3A_706 : vector<1x16xf32> to vector<16xf32>
        %swap3A_708 = vector.shape_cast %get3A_504 : vector<16xf32> to vector<1x16xf32>
        tpu.vector_store %arg9[%swap3A_704, %swap3A_705], %swap3A_708 {strides = array<i32>} : memref<64x256xf32, #tpu.memory_space<vmem>>, vector<1x16xf32>,
        %swap3A_709 = arith.index_cast %scan3A_669 : i32 to index
        %swap3A_710 = arith.constant 128 : index
        %swap3A_711 = tpu.vector_load %arg9[%swap3A_709, %swap3A_710] {strides = array<i32>} : memref<64x256xf32, #tpu.memory_space<vmem>>, vector<1x16xf32>,
        %swap3A_712 = vector.shape_cast %swap3A_711 : vector<1x16xf32> to vector<16xf32>
        %swap3A_713 = vector.shape_cast %get3A_508 : vector<16xf32> to vector<1x16xf32>
        tpu.vector_store %arg9[%swap3A_709, %swap3A_710], %swap3A_713 {strides = array<i32>} : memref<64x256xf32, #tpu.memory_space<vmem>>, vector<1x16xf32>,
        %swap3A_714 = arith.index_cast %scan3A_669 : i32 to index
        %swap3A_715 = arith.constant 144 : index
        %swap3A_716 = tpu.vector_load %arg9[%swap3A_714, %swap3A_715] {strides = array<i32>} : memref<64x256xf32, #tpu.memory_space<vmem>>, vector<1x16xf32>,
        %swap3A_717 = vector.shape_cast %swap3A_716 : vector<1x16xf32> to vector<16xf32>
        %swap3A_718 = vector.shape_cast %get3A_512 : vector<16xf32> to vector<1x16xf32>
        tpu.vector_store %arg9[%swap3A_714, %swap3A_715], %swap3A_718 {strides = array<i32>} : memref<64x256xf32, #tpu.memory_space<vmem>>, vector<1x16xf32>,
        %swap3A_719 = arith.index_cast %scan3A_669 : i32 to index
        %swap3A_720 = arith.constant 160 : index
        %swap3A_721 = tpu.vector_load %arg9[%swap3A_719, %swap3A_720] {strides = array<i32>} : memref<64x256xf32, #tpu.memory_space<vmem>>, vector<1x16xf32>,
        %swap3A_722 = vector.shape_cast %swap3A_721 : vector<1x16xf32> to vector<16xf32>
        %swap3A_723 = vector.shape_cast %get3A_516 : vector<16xf32> to vector<1x16xf32>
        tpu.vector_store %arg9[%swap3A_719, %swap3A_720], %swap3A_723 {strides = array<i32>} : memref<64x256xf32, #tpu.memory_space<vmem>>, vector<1x16xf32>,
        %swap3A_724 = arith.index_cast %scan3A_669 : i32 to index
        %swap3A_725 = arith.constant 176 : index
        %swap3A_726 = tpu.vector_load %arg9[%swap3A_724, %swap3A_725] {strides = array<i32>} : memref<64x256xf32, #tpu.memory_space<vmem>>, vector<1x16xf32>,
        %swap3A_727 = vector.shape_cast %swap3A_726 : vector<1x16xf32> to vector<16xf32>
        %swap3A_728 = vector.shape_cast %get3A_520 : vector<16xf32> to vector<1x16xf32>
        tpu.vector_store %arg9[%swap3A_724, %swap3A_725], %swap3A_728 {strides = array<i32>} : memref<64x256xf32, #tpu.memory_space<vmem>>, vector<1x16xf32>,
        %swap3A_729 = arith.index_cast %scan3A_669 : i32 to index
        %swap3A_730 = arith.constant 192 : index
        %swap3A_731 = tpu.vector_load %arg9[%swap3A_729, %swap3A_730] {strides = array<i32>} : memref<64x256xf32, #tpu.memory_space<vmem>>, vector<1x16xf32>,
        %swap3A_732 = vector.shape_cast %swap3A_731 : vector<1x16xf32> to vector<16xf32>
        %swap3A_733 = vector.shape_cast %get3A_524 : vector<16xf32> to vector<1x16xf32>
        tpu.vector_store %arg9[%swap3A_729, %swap3A_730], %swap3A_733 {strides = array<i32>} : memref<64x256xf32, #tpu.memory_space<vmem>>, vector<1x16xf32>,
        %swap3A_734 = arith.index_cast %scan3A_669 : i32 to index
        %swap3A_735 = arith.constant 208 : index
        %swap3A_736 = tpu.vector_load %arg9[%swap3A_734, %swap3A_735] {strides = array<i32>} : memref<64x256xf32, #tpu.memory_space<vmem>>, vector<1x16xf32>,
        %swap3A_737 = vector.shape_cast %swap3A_736 : vector<1x16xf32> to vector<16xf32>
        %swap3A_738 = vector.shape_cast %get3A_528 : vector<16xf32> to vector<1x16xf32>
        tpu.vector_store %arg9[%swap3A_734, %swap3A_735], %swap3A_738 {strides = array<i32>} : memref<64x256xf32, #tpu.memory_space<vmem>>, vector<1x16xf32>,
        %swap3A_739 = arith.index_cast %scan3A_669 : i32 to index
        %swap3A_740 = arith.constant 224 : index
        %swap3A_741 = tpu.vector_load %arg9[%swap3A_739, %swap3A_740] {strides = array<i32>} : memref<64x256xf32, #tpu.memory_space<vmem>>, vector<1x16xf32>,
        %swap3A_742 = vector.shape_cast %swap3A_741 : vector<1x16xf32> to vector<16xf32>
        %swap3A_743 = vector.shape_cast %get3A_532 : vector<16xf32> to vector<1x16xf32>
        tpu.vector_store %arg9[%swap3A_739, %swap3A_740], %swap3A_743 {strides = array<i32>} : memref<64x256xf32, #tpu.memory_space<vmem>>, vector<1x16xf32>,
        %swap3A_744 = arith.index_cast %scan3A_669 : i32 to index
        %swap3A_745 = arith.constant 240 : index
        %swap3A_746 = tpu.vector_load %arg9[%swap3A_744, %swap3A_745] {strides = array<i32>} : memref<64x256xf32, #tpu.memory_space<vmem>>, vector<1x16xf32>,
        %swap3A_747 = vector.shape_cast %swap3A_746 : vector<1x16xf32> to vector<16xf32>
        %swap3A_748 = vector.shape_cast %get3A_536 : vector<16xf32> to vector<1x16xf32>
        tpu.vector_store %arg9[%swap3A_744, %swap3A_745], %swap3A_748 {strides = array<i32>} : memref<64x256xf32, #tpu.memory_space<vmem>>, vector<1x16xf32>,
      }
      %scan3A_542 = arith.constant 64 : i32
      %mul3A_543 = arith.constant 64 : i32
      %mul3A_544 = arith.muli %add3A_427, %mul3A_543 : i32
      %dma_start3A_545 = arith.constant 0 : i32
      %dma_start3A_546 = tpu.memref_slice %arg6[%mul3A_544, %dma_start3A_545] : memref<69632x1024xf32, #tpu.memory_space<hbm>> -> memref<64x256xf32, #tpu.memory_space<hbm>>
      %dma_start3A_547 = arith.constant 0 : i32
      %dma_start3A_548 = tpu.memref_slice %arg6[%mul3A_544, %dma_start3A_547] : memref<69632x1024xf32, #tpu.memory_space<hbm>> -> memref<64x256xf32, #tpu.memory_space<hbm>>
      tpu.enqueue_dma source(%arg9 : memref<64x256xf32, #tpu.memory_space<vmem>>) target(%dma_start3A_548 : memref<64x256xf32, #tpu.memory_space<hbm>>) target_semaphore(%arg13 : memref<!tpu.dma_semaphore, #tpu.memory_space<semaphore_mem>>)
      %gt3A_549 = arith.cmpi sgt, %add3A_429, %mul3A_2 : i32
      %convert_element_type3A_550 = arith.extui %gt3A_549 : i1 to i32
      %cond3A_551 = arith.constant 0 : i32
      %cond3A_552 = arith.cmpi ne, %convert_element_type3A_550, %cond3A_551 : i32
      scf.if %cond3A_552 {
        %mul3A_669 = arith.constant 64 : i32
        %mul3A_670 = arith.muli %add3A_429, %mul3A_669 : i32
        %dma_wait3A_671 = arith.constant 512 : i32
        %dma_wait3A_672 = tpu.memref_slice %arg6[%mul3A_670, %dma_wait3A_671] : memref<69632x1024xf32, #tpu.memory_space<hbm>> -> memref<64x512xf32, #tpu.memory_space<hbm>>
        %dma_wait3A_673 = arith.constant 512 : i32
        %dma_wait3A_674 = tpu.memref_slice %arg6[%mul3A_670, %dma_wait3A_673] : memref<69632x1024xf32, #tpu.memory_space<hbm>> -> memref<64x512xf32, #tpu.memory_space<hbm>>
        tpu.wait_dma2 semaphore(%arg15 : memref<!tpu.dma_semaphore, #tpu.memory_space<semaphore_mem>>) src(%arg11 : memref<64x512xf32, #tpu.memory_space<vmem>>) dst(%dma_wait3A_674 : memref<64x512xf32, #tpu.memory_space<hbm>>)
      } else {
      }
      %eq3A_553 = arith.cmpi eq, %add3A_429, %min3A_28 : i32
      %convert_element_type3A_554 = arith.extui %eq3A_553 : i1 to i32
      %cond3A_555 = arith.constant 0 : i32
      %cond3A_556 = arith.cmpi ne, %convert_element_type3A_554, %cond3A_555 : i32
      scf.if %cond3A_556 {
        %get3A_669 = arith.constant 1 : i32
        %get3A_670 = arith.index_cast %get3A_669 : i32 to index
        %get3A_671 = arith.constant 0 : index
        %get3A_672 = tpu.vector_load %arg8[%get3A_670, %get3A_671] {strides = array<i32>} : memref<2x512xf32, #tpu.memory_space<vmem>>, vector<1x16xf32>,
        %get3A_673 = vector.shape_cast %get3A_672 : vector<1x16xf32> to vector<16xf32>
        %get3A_674 = arith.constant 1 : i32
        %get3A_675 = arith.index_cast %get3A_674 : i32 to index
        %get3A_676 = arith.constant 16 : index
        %get3A_677 = tpu.vector_load %arg8[%get3A_675, %get3A_676] {strides = array<i32>} : memref<2x512xf32, #tpu.memory_space<vmem>>, vector<1x16xf32>,
        %get3A_678 = vector.shape_cast %get3A_677 : vector<1x16xf32> to vector<16xf32>
        %get3A_679 = arith.constant 1 : i32
        %get3A_680 = arith.index_cast %get3A_679 : i32 to index
        %get3A_681 = arith.constant 32 : index
        %get3A_682 = tpu.vector_load %arg8[%get3A_680, %get3A_681] {strides = array<i32>} : memref<2x512xf32, #tpu.memory_space<vmem>>, vector<1x16xf32>,
        %get3A_683 = vector.shape_cast %get3A_682 : vector<1x16xf32> to vector<16xf32>
        %get3A_684 = arith.constant 1 : i32
        %get3A_685 = arith.index_cast %get3A_684 : i32 to index
        %get3A_686 = arith.constant 48 : index
        %get3A_687 = tpu.vector_load %arg8[%get3A_685, %get3A_686] {strides = array<i32>} : memref<2x512xf32, #tpu.memory_space<vmem>>, vector<1x16xf32>,
        %get3A_688 = vector.shape_cast %get3A_687 : vector<1x16xf32> to vector<16xf32>
        %get3A_689 = arith.constant 1 : i32
        %get3A_690 = arith.index_cast %get3A_689 : i32 to index
        %get3A_691 = arith.constant 64 : index
        %get3A_692 = tpu.vector_load %arg8[%get3A_690, %get3A_691] {strides = array<i32>} : memref<2x512xf32, #tpu.memory_space<vmem>>, vector<1x16xf32>,
        %get3A_693 = vector.shape_cast %get3A_692 : vector<1x16xf32> to vector<16xf32>
        %get3A_694 = arith.constant 1 : i32
        %get3A_695 = arith.index_cast %get3A_694 : i32 to index
        %get3A_696 = arith.constant 80 : index
        %get3A_697 = tpu.vector_load %arg8[%get3A_695, %get3A_696] {strides = array<i32>} : memref<2x512xf32, #tpu.memory_space<vmem>>, vector<1x16xf32>,
        %get3A_698 = vector.shape_cast %get3A_697 : vector<1x16xf32> to vector<16xf32>
        %get3A_699 = arith.constant 1 : i32
        %get3A_700 = arith.index_cast %get3A_699 : i32 to index
        %get3A_701 = arith.constant 96 : index
        %get3A_702 = tpu.vector_load %arg8[%get3A_700, %get3A_701] {strides = array<i32>} : memref<2x512xf32, #tpu.memory_space<vmem>>, vector<1x16xf32>,
        %get3A_703 = vector.shape_cast %get3A_702 : vector<1x16xf32> to vector<16xf32>
        %get3A_704 = arith.constant 1 : i32
        %get3A_705 = arith.index_cast %get3A_704 : i32 to index
        %get3A_706 = arith.constant 112 : index
        %get3A_707 = tpu.vector_load %arg8[%get3A_705, %get3A_706] {strides = array<i32>} : memref<2x512xf32, #tpu.memory_space<vmem>>, vector<1x16xf32>,
        %get3A_708 = vector.shape_cast %get3A_707 : vector<1x16xf32> to vector<16xf32>
        %get3A_709 = arith.constant 1 : i32
        %get3A_710 = arith.index_cast %get3A_709 : i32 to index
        %get3A_711 = arith.constant 128 : index
        %get3A_712 = tpu.vector_load %arg8[%get3A_710, %get3A_711] {strides = array<i32>} : memref<2x512xf32, #tpu.memory_space<vmem>>, vector<1x16xf32>,
        %get3A_713 = vector.shape_cast %get3A_712 : vector<1x16xf32> to vector<16xf32>
        %get3A_714 = arith.constant 1 : i32
        %get3A_715 = arith.index_cast %get3A_714 : i32 to index
        %get3A_716 = arith.constant 144 : index
        %get3A_717 = tpu.vector_load %arg8[%get3A_715, %get3A_716] {strides = array<i32>} : memref<2x512xf32, #tpu.memory_space<vmem>>, vector<1x16xf32>,
        %get3A_718 = vector.shape_cast %get3A_717 : vector<1x16xf32> to vector<16xf32>
        %get3A_719 = arith.constant 1 : i32
        %get3A_720 = arith.index_cast %get3A_719 : i32 to index
        %get3A_721 = arith.constant 160 : index
        %get3A_722 = tpu.vector_load %arg8[%get3A_720, %get3A_721] {strides = array<i32>} : memref<2x512xf32, #tpu.memory_space<vmem>>, vector<1x16xf32>,
        %get3A_723 = vector.shape_cast %get3A_722 : vector<1x16xf32> to vector<16xf32>
        %get3A_724 = arith.constant 1 : i32
        %get3A_725 = arith.index_cast %get3A_724 : i32 to index
        %get3A_726 = arith.constant 176 : index
        %get3A_727 = tpu.vector_load %arg8[%get3A_725, %get3A_726] {strides = array<i32>} : memref<2x512xf32, #tpu.memory_space<vmem>>, vector<1x16xf32>,
        %get3A_728 = vector.shape_cast %get3A_727 : vector<1x16xf32> to vector<16xf32>
        %get3A_729 = arith.constant 1 : i32
        %get3A_730 = arith.index_cast %get3A_729 : i32 to index
        %get3A_731 = arith.constant 192 : index
        %get3A_732 = tpu.vector_load %arg8[%get3A_730, %get3A_731] {strides = array<i32>} : memref<2x512xf32, #tpu.memory_space<vmem>>, vector<1x16xf32>,
        %get3A_733 = vector.shape_cast %get3A_732 : vector<1x16xf32> to vector<16xf32>
        %get3A_734 = arith.constant 1 : i32
        %get3A_735 = arith.index_cast %get3A_734 : i32 to index
        %get3A_736 = arith.constant 208 : index
        %get3A_737 = tpu.vector_load %arg8[%get3A_735, %get3A_736] {strides = array<i32>} : memref<2x512xf32, #tpu.memory_space<vmem>>, vector<1x16xf32>,
        %get3A_738 = vector.shape_cast %get3A_737 : vector<1x16xf32> to vector<16xf32>
        %get3A_739 = arith.constant 1 : i32
        %get3A_740 = arith.index_cast %get3A_739 : i32 to index
        %get3A_741 = arith.constant 224 : index
        %get3A_742 = tpu.vector_load %arg8[%get3A_740, %get3A_741] {strides = array<i32>} : memref<2x512xf32, #tpu.memory_space<vmem>>, vector<1x16xf32>,
        %get3A_743 = vector.shape_cast %get3A_742 : vector<1x16xf32> to vector<16xf32>
        %get3A_744 = arith.constant 1 : i32
        %get3A_745 = arith.index_cast %get3A_744 : i32 to index
        %get3A_746 = arith.constant 240 : index
        %get3A_747 = tpu.vector_load %arg8[%get3A_745, %get3A_746] {strides = array<i32>} : memref<2x512xf32, #tpu.memory_space<vmem>>, vector<1x16xf32>,
        %get3A_748 = vector.shape_cast %get3A_747 : vector<1x16xf32> to vector<16xf32>
        %get3A_749 = arith.constant 1 : i32
        %get3A_750 = arith.index_cast %get3A_749 : i32 to index
        %get3A_751 = arith.constant 256 : index
        %get3A_752 = tpu.vector_load %arg8[%get3A_750, %get3A_751] {strides = array<i32>} : memref<2x512xf32, #tpu.memory_space<vmem>>, vector<1x16xf32>,
        %get3A_753 = vector.shape_cast %get3A_752 : vector<1x16xf32> to vector<16xf32>
        %get3A_754 = arith.constant 1 : i32
        %get3A_755 = arith.index_cast %get3A_754 : i32 to index
        %get3A_756 = arith.constant 272 : index
        %get3A_757 = tpu.vector_load %arg8[%get3A_755, %get3A_756] {strides = array<i32>} : memref<2x512xf32, #tpu.memory_space<vmem>>, vector<1x16xf32>,
        %get3A_758 = vector.shape_cast %get3A_757 : vector<1x16xf32> to vector<16xf32>
        %get3A_759 = arith.constant 1 : i32
        %get3A_760 = arith.index_cast %get3A_759 : i32 to index
        %get3A_761 = arith.constant 288 : index
        %get3A_762 = tpu.vector_load %arg8[%get3A_760, %get3A_761] {strides = array<i32>} : memref<2x512xf32, #tpu.memory_space<vmem>>, vector<1x16xf32>,
        %get3A_763 = vector.shape_cast %get3A_762 : vector<1x16xf32> to vector<16xf32>
        %get3A_764 = arith.constant 1 : i32
        %get3A_765 = arith.index_cast %get3A_764 : i32 to index
        %get3A_766 = arith.constant 304 : index
        %get3A_767 = tpu.vector_load %arg8[%get3A_765, %get3A_766] {strides = array<i32>} : memref<2x512xf32, #tpu.memory_space<vmem>>, vector<1x16xf32>,
        %get3A_768 = vector.shape_cast %get3A_767 : vector<1x16xf32> to vector<16xf32>
        %get3A_769 = arith.constant 1 : i32
        %get3A_770 = arith.index_cast %get3A_769 : i32 to index
        %get3A_771 = arith.constant 320 : index
        %get3A_772 = tpu.vector_load %arg8[%get3A_770, %get3A_771] {strides = array<i32>} : memref<2x512xf32, #tpu.memory_space<vmem>>, vector<1x16xf32>,
        %get3A_773 = vector.shape_cast %get3A_772 : vector<1x16xf32> to vector<16xf32>
        %get3A_774 = arith.constant 1 : i32
        %get3A_775 = arith.index_cast %get3A_774 : i32 to index
        %get3A_776 = arith.constant 336 : index
        %get3A_777 = tpu.vector_load %arg8[%get3A_775, %get3A_776] {strides = array<i32>} : memref<2x512xf32, #tpu.memory_space<vmem>>, vector<1x16xf32>,
        %get3A_778 = vector.shape_cast %get3A_777 : vector<1x16xf32> to vector<16xf32>
        %get3A_779 = arith.constant 1 : i32
        %get3A_780 = arith.index_cast %get3A_779 : i32 to index
        %get3A_781 = arith.constant 352 : index
        %get3A_782 = tpu.vector_load %arg8[%get3A_780, %get3A_781] {strides = array<i32>} : memref<2x512xf32, #tpu.memory_space<vmem>>, vector<1x16xf32>,
        %get3A_783 = vector.shape_cast %get3A_782 : vector<1x16xf32> to vector<16xf32>
        %get3A_784 = arith.constant 1 : i32
        %get3A_785 = arith.index_cast %get3A_784 : i32 to index
        %get3A_786 = arith.constant 368 : index
        %get3A_787 = tpu.vector_load %arg8[%get3A_785, %get3A_786] {strides = array<i32>} : memref<2x512xf32, #tpu.memory_space<vmem>>, vector<1x16xf32>,
        %get3A_788 = vector.shape_cast %get3A_787 : vector<1x16xf32> to vector<16xf32>
        %get3A_789 = arith.constant 1 : i32
        %get3A_790 = arith.index_cast %get3A_789 : i32 to index
        %get3A_791 = arith.constant 384 : index
        %get3A_792 = tpu.vector_load %arg8[%get3A_790, %get3A_791] {strides = array<i32>} : memref<2x512xf32, #tpu.memory_space<vmem>>, vector<1x16xf32>,
        %get3A_793 = vector.shape_cast %get3A_792 : vector<1x16xf32> to vector<16xf32>
        %get3A_794 = arith.constant 1 : i32
        %get3A_795 = arith.index_cast %get3A_794 : i32 to index
        %get3A_796 = arith.constant 400 : index
        %get3A_797 = tpu.vector_load %arg8[%get3A_795, %get3A_796] {strides = array<i32>} : memref<2x512xf32, #tpu.memory_space<vmem>>, vector<1x16xf32>,
        %get3A_798 = vector.shape_cast %get3A_797 : vector<1x16xf32> to vector<16xf32>
        %get3A_799 = arith.constant 1 : i32
        %get3A_800 = arith.index_cast %get3A_799 : i32 to index
        %get3A_801 = arith.constant 416 : index
        %get3A_802 = tpu.vector_load %arg8[%get3A_800, %get3A_801] {strides = array<i32>} : memref<2x512xf32, #tpu.memory_space<vmem>>, vector<1x16xf32>,
        %get3A_803 = vector.shape_cast %get3A_802 : vector<1x16xf32> to vector<16xf32>
        %get3A_804 = arith.constant 1 : i32
        %get3A_805 = arith.index_cast %get3A_804 : i32 to index
        %get3A_806 = arith.constant 432 : index
        %get3A_807 = tpu.vector_load %arg8[%get3A_805, %get3A_806] {strides = array<i32>} : memref<2x512xf32, #tpu.memory_space<vmem>>, vector<1x16xf32>,
        %get3A_808 = vector.shape_cast %get3A_807 : vector<1x16xf32> to vector<16xf32>
        %get3A_809 = arith.constant 1 : i32
        %get3A_810 = arith.index_cast %get3A_809 : i32 to index
        %get3A_811 = arith.constant 448 : index
        %get3A_812 = tpu.vector_load %arg8[%get3A_810, %get3A_811] {strides = array<i32>} : memref<2x512xf32, #tpu.memory_space<vmem>>, vector<1x16xf32>,
        %get3A_813 = vector.shape_cast %get3A_812 : vector<1x16xf32> to vector<16xf32>
        %get3A_814 = arith.constant 1 : i32
        %get3A_815 = arith.index_cast %get3A_814 : i32 to index
        %get3A_816 = arith.constant 464 : index
        %get3A_817 = tpu.vector_load %arg8[%get3A_815, %get3A_816] {strides = array<i32>} : memref<2x512xf32, #tpu.memory_space<vmem>>, vector<1x16xf32>,
        %get3A_818 = vector.shape_cast %get3A_817 : vector<1x16xf32> to vector<16xf32>
        %get3A_819 = arith.constant 1 : i32
        %get3A_820 = arith.index_cast %get3A_819 : i32 to index
        %get3A_821 = arith.constant 480 : index
        %get3A_822 = tpu.vector_load %arg8[%get3A_820, %get3A_821] {strides = array<i32>} : memref<2x512xf32, #tpu.memory_space<vmem>>, vector<1x16xf32>,
        %get3A_823 = vector.shape_cast %get3A_822 : vector<1x16xf32> to vector<16xf32>
        %get3A_824 = arith.constant 1 : i32
        %get3A_825 = arith.index_cast %get3A_824 : i32 to index
        %get3A_826 = arith.constant 496 : index
        %get3A_827 = tpu.vector_load %arg8[%get3A_825, %get3A_826] {strides = array<i32>} : memref<2x512xf32, #tpu.memory_space<vmem>>, vector<1x16xf32>,
        %get3A_828 = vector.shape_cast %get3A_827 : vector<1x16xf32> to vector<16xf32>
        %scan3A_829 = arith.constant 0 : i32
        %scan3A_830 = arith.constant 0 : i32
        %scan3A_831 = arith.constant 64 : i32
        %scan3A_832 = arith.addi %scan3A_830, %scan3A_831 : i32
        %scan3A_833 = arith.constant 1 : i32
        scf.for %scan3A_835 = %scan3A_830 to %scan3A_832 step %scan3A_833  : i32 {
          %swap3A = arith.index_cast %scan3A_835 : i32 to index
          %swap3A_836 = arith.constant 0 : index
          %swap3A_837 = tpu.vector_load %arg11[%swap3A, %swap3A_836] {strides = array<i32>} : memref<64x512xf32, #tpu.memory_space<vmem>>, vector<1x16xf32>,
          %swap3A_838 = vector.shape_cast %swap3A_837 : vector<1x16xf32> to vector<16xf32>
          %swap3A_839 = vector.shape_cast %get3A_673 : vector<16xf32> to vector<1x16xf32>
          tpu.vector_store %arg11[%swap3A, %swap3A_836], %swap3A_839 {strides = array<i32>} : memref<64x512xf32, #tpu.memory_space<vmem>>, vector<1x16xf32>,
          %swap3A_840 = arith.index_cast %scan3A_835 : i32 to index
          %swap3A_841 = arith.constant 16 : index
          %swap3A_842 = tpu.vector_load %arg11[%swap3A_840, %swap3A_841] {strides = array<i32>} : memref<64x512xf32, #tpu.memory_space<vmem>>, vector<1x16xf32>,
          %swap3A_843 = vector.shape_cast %swap3A_842 : vector<1x16xf32> to vector<16xf32>
          %swap3A_844 = vector.shape_cast %get3A_678 : vector<16xf32> to vector<1x16xf32>
          tpu.vector_store %arg11[%swap3A_840, %swap3A_841], %swap3A_844 {strides = array<i32>} : memref<64x512xf32, #tpu.memory_space<vmem>>, vector<1x16xf32>,
          %swap3A_845 = arith.index_cast %scan3A_835 : i32 to index
          %swap3A_846 = arith.constant 32 : index
          %swap3A_847 = tpu.vector_load %arg11[%swap3A_845, %swap3A_846] {strides = array<i32>} : memref<64x512xf32, #tpu.memory_space<vmem>>, vector<1x16xf32>,
          %swap3A_848 = vector.shape_cast %swap3A_847 : vector<1x16xf32> to vector<16xf32>
          %swap3A_849 = vector.shape_cast %get3A_683 : vector<16xf32> to vector<1x16xf32>
          tpu.vector_store %arg11[%swap3A_845, %swap3A_846], %swap3A_849 {strides = array<i32>} : memref<64x512xf32, #tpu.memory_space<vmem>>, vector<1x16xf32>,
          %swap3A_850 = arith.index_cast %scan3A_835 : i32 to index
          %swap3A_851 = arith.constant 48 : index
          %swap3A_852 = tpu.vector_load %arg11[%swap3A_850, %swap3A_851] {strides = array<i32>} : memref<64x512xf32, #tpu.memory_space<vmem>>, vector<1x16xf32>,
          %swap3A_853 = vector.shape_cast %swap3A_852 : vector<1x16xf32> to vector<16xf32>
          %swap3A_854 = vector.shape_cast %get3A_688 : vector<16xf32> to vector<1x16xf32>
          tpu.vector_store %arg11[%swap3A_850, %swap3A_851], %swap3A_854 {strides = array<i32>} : memref<64x512xf32, #tpu.memory_space<vmem>>, vector<1x16xf32>,
          %swap3A_855 = arith.index_cast %scan3A_835 : i32 to index
          %swap3A_856 = arith.constant 64 : index
          %swap3A_857 = tpu.vector_load %arg11[%swap3A_855, %swap3A_856] {strides = array<i32>} : memref<64x512xf32, #tpu.memory_space<vmem>>, vector<1x16xf32>,
          %swap3A_858 = vector.shape_cast %swap3A_857 : vector<1x16xf32> to vector<16xf32>
          %swap3A_859 = vector.shape_cast %get3A_693 : vector<16xf32> to vector<1x16xf32>
          tpu.vector_store %arg11[%swap3A_855, %swap3A_856], %swap3A_859 {strides = array<i32>} : memref<64x512xf32, #tpu.memory_space<vmem>>, vector<1x16xf32>,
          %swap3A_860 = arith.index_cast %scan3A_835 : i32 to index
          %swap3A_861 = arith.constant 80 : index
          %swap3A_862 = tpu.vector_load %arg11[%swap3A_860, %swap3A_861] {strides = array<i32>} : memref<64x512xf32, #tpu.memory_space<vmem>>, vector<1x16xf32>,
          %swap3A_863 = vector.shape_cast %swap3A_862 : vector<1x16xf32> to vector<16xf32>
          %swap3A_864 = vector.shape_cast %get3A_698 : vector<16xf32> to vector<1x16xf32>
          tpu.vector_store %arg11[%swap3A_860, %swap3A_861], %swap3A_864 {strides = array<i32>} : memref<64x512xf32, #tpu.memory_space<vmem>>, vector<1x16xf32>,
          %swap3A_865 = arith.index_cast %scan3A_835 : i32 to index
          %swap3A_866 = arith.constant 96 : index
          %swap3A_867 = tpu.vector_load %arg11[%swap3A_865, %swap3A_866] {strides = array<i32>} : memref<64x512xf32, #tpu.memory_space<vmem>>, vector<1x16xf32>,
          %swap3A_868 = vector.shape_cast %swap3A_867 : vector<1x16xf32> to vector<16xf32>
          %swap3A_869 = vector.shape_cast %get3A_703 : vector<16xf32> to vector<1x16xf32>
          tpu.vector_store %arg11[%swap3A_865, %swap3A_866], %swap3A_869 {strides = array<i32>} : memref<64x512xf32, #tpu.memory_space<vmem>>, vector<1x16xf32>,
          %swap3A_870 = arith.index_cast %scan3A_835 : i32 to index
          %swap3A_871 = arith.constant 112 : index
          %swap3A_872 = tpu.vector_load %arg11[%swap3A_870, %swap3A_871] {strides = array<i32>} : memref<64x512xf32, #tpu.memory_space<vmem>>, vector<1x16xf32>,
          %swap3A_873 = vector.shape_cast %swap3A_872 : vector<1x16xf32> to vector<16xf32>
          %swap3A_874 = vector.shape_cast %get3A_708 : vector<16xf32> to vector<1x16xf32>
          tpu.vector_store %arg11[%swap3A_870, %swap3A_871], %swap3A_874 {strides = array<i32>} : memref<64x512xf32, #tpu.memory_space<vmem>>, vector<1x16xf32>,
          %swap3A_875 = arith.index_cast %scan3A_835 : i32 to index
          %swap3A_876 = arith.constant 128 : index
          %swap3A_877 = tpu.vector_load %arg11[%swap3A_875, %swap3A_876] {strides = array<i32>} : memref<64x512xf32, #tpu.memory_space<vmem>>, vector<1x16xf32>,
          %swap3A_878 = vector.shape_cast %swap3A_877 : vector<1x16xf32> to vector<16xf32>
          %swap3A_879 = vector.shape_cast %get3A_713 : vector<16xf32> to vector<1x16xf32>
          tpu.vector_store %arg11[%swap3A_875, %swap3A_876], %swap3A_879 {strides = array<i32>} : memref<64x512xf32, #tpu.memory_space<vmem>>, vector<1x16xf32>,
          %swap3A_880 = arith.index_cast %scan3A_835 : i32 to index
          %swap3A_881 = arith.constant 144 : index
          %swap3A_882 = tpu.vector_load %arg11[%swap3A_880, %swap3A_881] {strides = array<i32>} : memref<64x512xf32, #tpu.memory_space<vmem>>, vector<1x16xf32>,
          %swap3A_883 = vector.shape_cast %swap3A_882 : vector<1x16xf32> to vector<16xf32>
          %swap3A_884 = vector.shape_cast %get3A_718 : vector<16xf32> to vector<1x16xf32>
          tpu.vector_store %arg11[%swap3A_880, %swap3A_881], %swap3A_884 {strides = array<i32>} : memref<64x512xf32, #tpu.memory_space<vmem>>, vector<1x16xf32>,
          %swap3A_885 = arith.index_cast %scan3A_835 : i32 to index
          %swap3A_886 = arith.constant 160 : index
          %swap3A_887 = tpu.vector_load %arg11[%swap3A_885, %swap3A_886] {strides = array<i32>} : memref<64x512xf32, #tpu.memory_space<vmem>>, vector<1x16xf32>,
          %swap3A_888 = vector.shape_cast %swap3A_887 : vector<1x16xf32> to vector<16xf32>
          %swap3A_889 = vector.shape_cast %get3A_723 : vector<16xf32> to vector<1x16xf32>
          tpu.vector_store %arg11[%swap3A_885, %swap3A_886], %swap3A_889 {strides = array<i32>} : memref<64x512xf32, #tpu.memory_space<vmem>>, vector<1x16xf32>,
          %swap3A_890 = arith.index_cast %scan3A_835 : i32 to index
          %swap3A_891 = arith.constant 176 : index
          %swap3A_892 = tpu.vector_load %arg11[%swap3A_890, %swap3A_891] {strides = array<i32>} : memref<64x512xf32, #tpu.memory_space<vmem>>, vector<1x16xf32>,
          %swap3A_893 = vector.shape_cast %swap3A_892 : vector<1x16xf32> to vector<16xf32>
          %swap3A_894 = vector.shape_cast %get3A_728 : vector<16xf32> to vector<1x16xf32>
          tpu.vector_store %arg11[%swap3A_890, %swap3A_891], %swap3A_894 {strides = array<i32>} : memref<64x512xf32, #tpu.memory_space<vmem>>, vector<1x16xf32>,
          %swap3A_895 = arith.index_cast %scan3A_835 : i32 to index
          %swap3A_896 = arith.constant 192 : index
          %swap3A_897 = tpu.vector_load %arg11[%swap3A_895, %swap3A_896] {strides = array<i32>} : memref<64x512xf32, #tpu.memory_space<vmem>>, vector<1x16xf32>,
          %swap3A_898 = vector.shape_cast %swap3A_897 : vector<1x16xf32> to vector<16xf32>
          %swap3A_899 = vector.shape_cast %get3A_733 : vector<16xf32> to vector<1x16xf32>
          tpu.vector_store %arg11[%swap3A_895, %swap3A_896], %swap3A_899 {strides = array<i32>} : memref<64x512xf32, #tpu.memory_space<vmem>>, vector<1x16xf32>,
          %swap3A_900 = arith.index_cast %scan3A_835 : i32 to index
          %swap3A_901 = arith.constant 208 : index
          %swap3A_902 = tpu.vector_load %arg11[%swap3A_900, %swap3A_901] {strides = array<i32>} : memref<64x512xf32, #tpu.memory_space<vmem>>, vector<1x16xf32>,
          %swap3A_903 = vector.shape_cast %swap3A_902 : vector<1x16xf32> to vector<16xf32>
          %swap3A_904 = vector.shape_cast %get3A_738 : vector<16xf32> to vector<1x16xf32>
          tpu.vector_store %arg11[%swap3A_900, %swap3A_901], %swap3A_904 {strides = array<i32>} : memref<64x512xf32, #tpu.memory_space<vmem>>, vector<1x16xf32>,
          %swap3A_905 = arith.index_cast %scan3A_835 : i32 to index
          %swap3A_906 = arith.constant 224 : index
          %swap3A_907 = tpu.vector_load %arg11[%swap3A_905, %swap3A_906] {strides = array<i32>} : memref<64x512xf32, #tpu.memory_space<vmem>>, vector<1x16xf32>,
          %swap3A_908 = vector.shape_cast %swap3A_907 : vector<1x16xf32> to vector<16xf32>
          %swap3A_909 = vector.shape_cast %get3A_743 : vector<16xf32> to vector<1x16xf32>
          tpu.vector_store %arg11[%swap3A_905, %swap3A_906], %swap3A_909 {strides = array<i32>} : memref<64x512xf32, #tpu.memory_space<vmem>>, vector<1x16xf32>,
          %swap3A_910 = arith.index_cast %scan3A_835 : i32 to index
          %swap3A_911 = arith.constant 240 : index
          %swap3A_912 = tpu.vector_load %arg11[%swap3A_910, %swap3A_911] {strides = array<i32>} : memref<64x512xf32, #tpu.memory_space<vmem>>, vector<1x16xf32>,
          %swap3A_913 = vector.shape_cast %swap3A_912 : vector<1x16xf32> to vector<16xf32>
          %swap3A_914 = vector.shape_cast %get3A_748 : vector<16xf32> to vector<1x16xf32>
          tpu.vector_store %arg11[%swap3A_910, %swap3A_911], %swap3A_914 {strides = array<i32>} : memref<64x512xf32, #tpu.memory_space<vmem>>, vector<1x16xf32>,
          %swap3A_915 = arith.index_cast %scan3A_835 : i32 to index
          %swap3A_916 = arith.constant 256 : index
          %swap3A_917 = tpu.vector_load %arg11[%swap3A_915, %swap3A_916] {strides = array<i32>} : memref<64x512xf32, #tpu.memory_space<vmem>>, vector<1x16xf32>,
          %swap3A_918 = vector.shape_cast %swap3A_917 : vector<1x16xf32> to vector<16xf32>
          %swap3A_919 = vector.shape_cast %get3A_753 : vector<16xf32> to vector<1x16xf32>
          tpu.vector_store %arg11[%swap3A_915, %swap3A_916], %swap3A_919 {strides = array<i32>} : memref<64x512xf32, #tpu.memory_space<vmem>>, vector<1x16xf32>,
          %swap3A_920 = arith.index_cast %scan3A_835 : i32 to index
          %swap3A_921 = arith.constant 272 : index
          %swap3A_922 = tpu.vector_load %arg11[%swap3A_920, %swap3A_921] {strides = array<i32>} : memref<64x512xf32, #tpu.memory_space<vmem>>, vector<1x16xf32>,
          %swap3A_923 = vector.shape_cast %swap3A_922 : vector<1x16xf32> to vector<16xf32>
          %swap3A_924 = vector.shape_cast %get3A_758 : vector<16xf32> to vector<1x16xf32>
          tpu.vector_store %arg11[%swap3A_920, %swap3A_921], %swap3A_924 {strides = array<i32>} : memref<64x512xf32, #tpu.memory_space<vmem>>, vector<1x16xf32>,
          %swap3A_925 = arith.index_cast %scan3A_835 : i32 to index
          %swap3A_926 = arith.constant 288 : index
          %swap3A_927 = tpu.vector_load %arg11[%swap3A_925, %swap3A_926] {strides = array<i32>} : memref<64x512xf32, #tpu.memory_space<vmem>>, vector<1x16xf32>,
          %swap3A_928 = vector.shape_cast %swap3A_927 : vector<1x16xf32> to vector<16xf32>
          %swap3A_929 = vector.shape_cast %get3A_763 : vector<16xf32> to vector<1x16xf32>
          tpu.vector_store %arg11[%swap3A_925, %swap3A_926], %swap3A_929 {strides = array<i32>} : memref<64x512xf32, #tpu.memory_space<vmem>>, vector<1x16xf32>,
          %swap3A_930 = arith.index_cast %scan3A_835 : i32 to index
          %swap3A_931 = arith.constant 304 : index
          %swap3A_932 = tpu.vector_load %arg11[%swap3A_930, %swap3A_931] {strides = array<i32>} : memref<64x512xf32, #tpu.memory_space<vmem>>, vector<1x16xf32>,
          %swap3A_933 = vector.shape_cast %swap3A_932 : vector<1x16xf32> to vector<16xf32>
          %swap3A_934 = vector.shape_cast %get3A_768 : vector<16xf32> to vector<1x16xf32>
          tpu.vector_store %arg11[%swap3A_930, %swap3A_931], %swap3A_934 {strides = array<i32>} : memref<64x512xf32, #tpu.memory_space<vmem>>, vector<1x16xf32>,
          %swap3A_935 = arith.index_cast %scan3A_835 : i32 to index
          %swap3A_936 = arith.constant 320 : index
          %swap3A_937 = tpu.vector_load %arg11[%swap3A_935, %swap3A_936] {strides = array<i32>} : memref<64x512xf32, #tpu.memory_space<vmem>>, vector<1x16xf32>,
          %swap3A_938 = vector.shape_cast %swap3A_937 : vector<1x16xf32> to vector<16xf32>
          %swap3A_939 = vector.shape_cast %get3A_773 : vector<16xf32> to vector<1x16xf32>
          tpu.vector_store %arg11[%swap3A_935, %swap3A_936], %swap3A_939 {strides = array<i32>} : memref<64x512xf32, #tpu.memory_space<vmem>>, vector<1x16xf32>,
          %swap3A_940 = arith.index_cast %scan3A_835 : i32 to index
          %swap3A_941 = arith.constant 336 : index
          %swap3A_942 = tpu.vector_load %arg11[%swap3A_940, %swap3A_941] {strides = array<i32>} : memref<64x512xf32, #tpu.memory_space<vmem>>, vector<1x16xf32>,
          %swap3A_943 = vector.shape_cast %swap3A_942 : vector<1x16xf32> to vector<16xf32>
          %swap3A_944 = vector.shape_cast %get3A_778 : vector<16xf32> to vector<1x16xf32>
          tpu.vector_store %arg11[%swap3A_940, %swap3A_941], %swap3A_944 {strides = array<i32>} : memref<64x512xf32, #tpu.memory_space<vmem>>, vector<1x16xf32>,
          %swap3A_945 = arith.index_cast %scan3A_835 : i32 to index
          %swap3A_946 = arith.constant 352 : index
          %swap3A_947 = tpu.vector_load %arg11[%swap3A_945, %swap3A_946] {strides = array<i32>} : memref<64x512xf32, #tpu.memory_space<vmem>>, vector<1x16xf32>,
          %swap3A_948 = vector.shape_cast %swap3A_947 : vector<1x16xf32> to vector<16xf32>
          %swap3A_949 = vector.shape_cast %get3A_783 : vector<16xf32> to vector<1x16xf32>
          tpu.vector_store %arg11[%swap3A_945, %swap3A_946], %swap3A_949 {strides = array<i32>} : memref<64x512xf32, #tpu.memory_space<vmem>>, vector<1x16xf32>,
          %swap3A_950 = arith.index_cast %scan3A_835 : i32 to index
          %swap3A_951 = arith.constant 368 : index
          %swap3A_952 = tpu.vector_load %arg11[%swap3A_950, %swap3A_951] {strides = array<i32>} : memref<64x512xf32, #tpu.memory_space<vmem>>, vector<1x16xf32>,
          %swap3A_953 = vector.shape_cast %swap3A_952 : vector<1x16xf32> to vector<16xf32>
          %swap3A_954 = vector.shape_cast %get3A_788 : vector<16xf32> to vector<1x16xf32>
          tpu.vector_store %arg11[%swap3A_950, %swap3A_951], %swap3A_954 {strides = array<i32>} : memref<64x512xf32, #tpu.memory_space<vmem>>, vector<1x16xf32>,
          %swap3A_955 = arith.index_cast %scan3A_835 : i32 to index
          %swap3A_956 = arith.constant 384 : index
          %swap3A_957 = tpu.vector_load %arg11[%swap3A_955, %swap3A_956] {strides = array<i32>} : memref<64x512xf32, #tpu.memory_space<vmem>>, vector<1x16xf32>,
          %swap3A_958 = vector.shape_cast %swap3A_957 : vector<1x16xf32> to vector<16xf32>
          %swap3A_959 = vector.shape_cast %get3A_793 : vector<16xf32> to vector<1x16xf32>
          tpu.vector_store %arg11[%swap3A_955, %swap3A_956], %swap3A_959 {strides = array<i32>} : memref<64x512xf32, #tpu.memory_space<vmem>>, vector<1x16xf32>,
          %swap3A_960 = arith.index_cast %scan3A_835 : i32 to index
          %swap3A_961 = arith.constant 400 : index
          %swap3A_962 = tpu.vector_load %arg11[%swap3A_960, %swap3A_961] {strides = array<i32>} : memref<64x512xf32, #tpu.memory_space<vmem>>, vector<1x16xf32>,
          %swap3A_963 = vector.shape_cast %swap3A_962 : vector<1x16xf32> to vector<16xf32>
          %swap3A_964 = vector.shape_cast %get3A_798 : vector<16xf32> to vector<1x16xf32>
          tpu.vector_store %arg11[%swap3A_960, %swap3A_961], %swap3A_964 {strides = array<i32>} : memref<64x512xf32, #tpu.memory_space<vmem>>, vector<1x16xf32>,
          %swap3A_965 = arith.index_cast %scan3A_835 : i32 to index
          %swap3A_966 = arith.constant 416 : index
          %swap3A_967 = tpu.vector_load %arg11[%swap3A_965, %swap3A_966] {strides = array<i32>} : memref<64x512xf32, #tpu.memory_space<vmem>>, vector<1x16xf32>,
          %swap3A_968 = vector.shape_cast %swap3A_967 : vector<1x16xf32> to vector<16xf32>
          %swap3A_969 = vector.shape_cast %get3A_803 : vector<16xf32> to vector<1x16xf32>
          tpu.vector_store %arg11[%swap3A_965, %swap3A_966], %swap3A_969 {strides = array<i32>} : memref<64x512xf32, #tpu.memory_space<vmem>>, vector<1x16xf32>,
          %swap3A_970 = arith.index_cast %scan3A_835 : i32 to index
          %swap3A_971 = arith.constant 432 : index
          %swap3A_972 = tpu.vector_load %arg11[%swap3A_970, %swap3A_971] {strides = array<i32>} : memref<64x512xf32, #tpu.memory_space<vmem>>, vector<1x16xf32>,
          %swap3A_973 = vector.shape_cast %swap3A_972 : vector<1x16xf32> to vector<16xf32>
          %swap3A_974 = vector.shape_cast %get3A_808 : vector<16xf32> to vector<1x16xf32>
          tpu.vector_store %arg11[%swap3A_970, %swap3A_971], %swap3A_974 {strides = array<i32>} : memref<64x512xf32, #tpu.memory_space<vmem>>, vector<1x16xf32>,
          %swap3A_975 = arith.index_cast %scan3A_835 : i32 to index
          %swap3A_976 = arith.constant 448 : index
          %swap3A_977 = tpu.vector_load %arg11[%swap3A_975, %swap3A_976] {strides = array<i32>} : memref<64x512xf32, #tpu.memory_space<vmem>>, vector<1x16xf32>,
          %swap3A_978 = vector.shape_cast %swap3A_977 : vector<1x16xf32> to vector<16xf32>
          %swap3A_979 = vector.shape_cast %get3A_813 : vector<16xf32> to vector<1x16xf32>
          tpu.vector_store %arg11[%swap3A_975, %swap3A_976], %swap3A_979 {strides = array<i32>} : memref<64x512xf32, #tpu.memory_space<vmem>>, vector<1x16xf32>,
          %swap3A_980 = arith.index_cast %scan3A_835 : i32 to index
          %swap3A_981 = arith.constant 464 : index
          %swap3A_982 = tpu.vector_load %arg11[%swap3A_980, %swap3A_981] {strides = array<i32>} : memref<64x512xf32, #tpu.memory_space<vmem>>, vector<1x16xf32>,
          %swap3A_983 = vector.shape_cast %swap3A_982 : vector<1x16xf32> to vector<16xf32>
          %swap3A_984 = vector.shape_cast %get3A_818 : vector<16xf32> to vector<1x16xf32>
          tpu.vector_store %arg11[%swap3A_980, %swap3A_981], %swap3A_984 {strides = array<i32>} : memref<64x512xf32, #tpu.memory_space<vmem>>, vector<1x16xf32>,
          %swap3A_985 = arith.index_cast %scan3A_835 : i32 to index
          %swap3A_986 = arith.constant 480 : index
          %swap3A_987 = tpu.vector_load %arg11[%swap3A_985, %swap3A_986] {strides = array<i32>} : memref<64x512xf32, #tpu.memory_space<vmem>>, vector<1x16xf32>,
          %swap3A_988 = vector.shape_cast %swap3A_987 : vector<1x16xf32> to vector<16xf32>
          %swap3A_989 = vector.shape_cast %get3A_823 : vector<16xf32> to vector<1x16xf32>
          tpu.vector_store %arg11[%swap3A_985, %swap3A_986], %swap3A_989 {strides = array<i32>} : memref<64x512xf32, #tpu.memory_space<vmem>>, vector<1x16xf32>,
          %swap3A_990 = arith.index_cast %scan3A_835 : i32 to index
          %swap3A_991 = arith.constant 496 : index
          %swap3A_992 = tpu.vector_load %arg11[%swap3A_990, %swap3A_991] {strides = array<i32>} : memref<64x512xf32, #tpu.memory_space<vmem>>, vector<1x16xf32>,
          %swap3A_993 = vector.shape_cast %swap3A_992 : vector<1x16xf32> to vector<16xf32>
          %swap3A_994 = vector.shape_cast %get3A_828 : vector<16xf32> to vector<1x16xf32>
          tpu.vector_store %arg11[%swap3A_990, %swap3A_991], %swap3A_994 {strides = array<i32>} : memref<64x512xf32, #tpu.memory_space<vmem>>, vector<1x16xf32>,
        }
        %scan3A_834 = arith.constant 64 : i32
      } else {
      }
      %mul3A_557 = arith.constant 64 : i32
      %mul3A_558 = arith.muli %add3A_429, %mul3A_557 : i32
      %dma_start3A_559 = arith.constant 512 : i32
      %dma_start3A_560 = tpu.memref_slice %arg6[%mul3A_558, %dma_start3A_559] : memref<69632x1024xf32, #tpu.memory_space<hbm>> -> memref<64x512xf32, #tpu.memory_space<hbm>>
      %dma_start3A_561 = arith.constant 512 : i32
      %dma_start3A_562 = tpu.memref_slice %arg6[%mul3A_558, %dma_start3A_561] : memref<69632x1024xf32, #tpu.memory_space<hbm>> -> memref<64x512xf32, #tpu.memory_space<hbm>>
      tpu.enqueue_dma source(%arg11 : memref<64x512xf32, #tpu.memory_space<vmem>>) target(%dma_start3A_562 : memref<64x512xf32, #tpu.memory_space<hbm>>) target_semaphore(%arg15 : memref<!tpu.dma_semaphore, #tpu.memory_space<semaphore_mem>>)
      %gt3A_563 = arith.cmpi sgt, %add3A_429, %mul3A_2 : i32
      %convert_element_type3A_564 = arith.extui %gt3A_563 : i1 to i32
      %cond3A_565 = arith.constant 0 : i32
      %cond3A_566 = arith.cmpi ne, %convert_element_type3A_564, %cond3A_565 : i32
      scf.if %cond3A_566 {
        %mul3A_669 = arith.constant 64 : i32
        %mul3A_670 = arith.muli %add3A_429, %mul3A_669 : i32
        %dma_wait3A_671 = arith.constant 256 : i32
        %dma_wait3A_672 = tpu.memref_slice %arg6[%mul3A_670, %dma_wait3A_671] : memref<69632x1024xf32, #tpu.memory_space<hbm>> -> memref<64x256xf32, #tpu.memory_space<hbm>>
        tpu.wait_dma2 semaphore(%arg16 : memref<!tpu.dma_semaphore, #tpu.memory_space<semaphore_mem>>) src(%arg12 : memref<64x256xf32, #tpu.memory_space<vmem_shared>>) dst(%dma_wait3A_672 : memref<64x256xf32, #tpu.memory_space<hbm>>)
      } else {
      }
      %mul3A_567 = arith.constant 64 : i32
      %mul3A_568 = arith.muli %add3A_429, %mul3A_567 : i32
      %dma_start3A_569 = arith.constant 256 : i32
      %dma_start3A_570 = tpu.memref_slice %arg6[%mul3A_568, %dma_start3A_569] : memref<69632x1024xf32, #tpu.memory_space<hbm>> -> memref<64x256xf32, #tpu.memory_space<hbm>>
      tpu.enqueue_dma source(%arg12 : memref<64x256xf32, #tpu.memory_space<vmem_shared>>) target(%dma_start3A_570 : memref<64x256xf32, #tpu.memory_space<hbm>>) target_semaphore(%arg16 : memref<!tpu.dma_semaphore, #tpu.memory_space<semaphore_mem>>)
      %add3A_571 = arith.constant 1 : i32
      %add3A_572 = arith.addi %mul3A_2, %add3A_571 : i32
      %gt3A_573 = arith.cmpi sgt, %add3A_429, %add3A_572 : i32
      %convert_element_type3A_574 = arith.extui %gt3A_573 : i1 to i32
      %cond3A_575 = arith.constant 0 : i32
      %cond3A_576 = arith.cmpi ne, %convert_element_type3A_574, %cond3A_575 : i32
      scf.if %cond3A_576 {
        %mul3A_669 = arith.constant 64 : i32
        %mul3A_670 = arith.muli %add3A_429, %mul3A_669 : i32
        %dma_wait3A_671 = arith.constant 0 : i32
        %dma_wait3A_672 = tpu.memref_slice %arg6[%mul3A_670, %dma_wait3A_671] : memref<69632x1024xf32, #tpu.memory_space<hbm>> -> memref<64x256xf32, #tpu.memory_space<hbm>>
        %dma_wait3A_673 = arith.constant 0 : i32
        %dma_wait3A_674 = tpu.memref_slice %arg6[%mul3A_670, %dma_wait3A_673] : memref<69632x1024xf32, #tpu.memory_space<hbm>> -> memref<64x256xf32, #tpu.memory_space<hbm>>
        tpu.wait_dma2 semaphore(%arg14 : memref<!tpu.dma_semaphore, #tpu.memory_space<semaphore_mem>>) src(%arg10 : memref<64x256xf32, #tpu.memory_space<vmem>>) dst(%dma_wait3A_674 : memref<64x256xf32, #tpu.memory_space<hbm>>)
      } else {
      }
      %jit3A_577 = arith.constant 64 : i32
      %eq3A_578 = arith.constant 0 : i32
      %eq3A_579 = arith.cmpi eq, %jit3A_577, %eq3A_578 : i32
      %jit3A_580 = arith.constant 1 : i32
      %select_n3A_581 = arith.select %eq3A_579, %jit3A_580, %jit3A_577 : i32
      %rem3A_582 = arith.remsi %add3A_429, %select_n3A_581 : i32
      %ne3A_583 = arith.constant 0 : i32
      %ne3A_584 = arith.cmpi ne, %rem3A_582, %ne3A_583 : i32
      %lt3A_585 = arith.constant 0 : i32
      %lt3A_586 = arith.cmpi slt, %rem3A_582, %lt3A_585 : i32
      %lt3A_587 = arith.constant 0 : i32
      %lt3A_588 = arith.cmpi slt, %select_n3A_581, %lt3A_587 : i32
      %ne3A_589 = arith.xori %lt3A_586, %lt3A_588 : i1
      %and3A_590 = arith.andi %ne3A_589, %ne3A_584 : i1
      %add3A_591 = arith.addi %rem3A_582, %select_n3A_581 : i32
      %select_n3A_592 = arith.select %and3A_590, %add3A_591, %rem3A_582 : i32
      %get3A_593 = arith.index_cast %select_n3A_592 : i32 to index
      %get3A_594 = arith.constant 0 : index
      %get3A_595 = tpu.vector_load %arg7[%get3A_593, %get3A_594] {strides = array<i32>} : memref<64x256xf32, #tpu.memory_space<vmem>>, vector<1x16xf32>,
      %get3A_596 = vector.shape_cast %get3A_595 : vector<1x16xf32> to vector<16xf32>
      %get3A_597 = arith.index_cast %select_n3A_592 : i32 to index
      %get3A_598 = arith.constant 16 : index
      %get3A_599 = tpu.vector_load %arg7[%get3A_597, %get3A_598] {strides = array<i32>} : memref<64x256xf32, #tpu.memory_space<vmem>>, vector<1x16xf32>,
      %get3A_600 = vector.shape_cast %get3A_599 : vector<1x16xf32> to vector<16xf32>
      %get3A_601 = arith.index_cast %select_n3A_592 : i32 to index
      %get3A_602 = arith.constant 32 : index
      %get3A_603 = tpu.vector_load %arg7[%get3A_601, %get3A_602] {strides = array<i32>} : memref<64x256xf32, #tpu.memory_space<vmem>>, vector<1x16xf32>,
      %get3A_604 = vector.shape_cast %get3A_603 : vector<1x16xf32> to vector<16xf32>
      %get3A_605 = arith.index_cast %select_n3A_592 : i32 to index
      %get3A_606 = arith.constant 48 : index
      %get3A_607 = tpu.vector_load %arg7[%get3A_605, %get3A_606] {strides = array<i32>} : memref<64x256xf32, #tpu.memory_space<vmem>>, vector<1x16xf32>,
      %get3A_608 = vector.shape_cast %get3A_607 : vector<1x16xf32> to vector<16xf32>
      %get3A_609 = arith.index_cast %select_n3A_592 : i32 to index
      %get3A_610 = arith.constant 64 : index
      %get3A_611 = tpu.vector_load %arg7[%get3A_609, %get3A_610] {strides = array<i32>} : memref<64x256xf32, #tpu.memory_space<vmem>>, vector<1x16xf32>,
      %get3A_612 = vector.shape_cast %get3A_611 : vector<1x16xf32> to vector<16xf32>
      %get3A_613 = arith.index_cast %select_n3A_592 : i32 to index
      %get3A_614 = arith.constant 80 : index
      %get3A_615 = tpu.vector_load %arg7[%get3A_613, %get3A_614] {strides = array<i32>} : memref<64x256xf32, #tpu.memory_space<vmem>>, vector<1x16xf32>,
      %get3A_616 = vector.shape_cast %get3A_615 : vector<1x16xf32> to vector<16xf32>
      %get3A_617 = arith.index_cast %select_n3A_592 : i32 to index
      %get3A_618 = arith.constant 96 : index
      %get3A_619 = tpu.vector_load %arg7[%get3A_617, %get3A_618] {strides = array<i32>} : memref<64x256xf32, #tpu.memory_space<vmem>>, vector<1x16xf32>,
      %get3A_620 = vector.shape_cast %get3A_619 : vector<1x16xf32> to vector<16xf32>
      %get3A_621 = arith.index_cast %select_n3A_592 : i32 to index
      %get3A_622 = arith.constant 112 : index
      %get3A_623 = tpu.vector_load %arg7[%get3A_621, %get3A_622] {strides = array<i32>} : memref<64x256xf32, #tpu.memory_space<vmem>>, vector<1x16xf32>,
      %get3A_624 = vector.shape_cast %get3A_623 : vector<1x16xf32> to vector<16xf32>
      %get3A_625 = arith.index_cast %select_n3A_592 : i32 to index
      %get3A_626 = arith.constant 128 : index
      %get3A_627 = tpu.vector_load %arg7[%get3A_625, %get3A_626] {strides = array<i32>} : memref<64x256xf32, #tpu.memory_space<vmem>>, vector<1x16xf32>,
      %get3A_628 = vector.shape_cast %get3A_627 : vector<1x16xf32> to vector<16xf32>
      %get3A_629 = arith.index_cast %select_n3A_592 : i32 to index
      %get3A_630 = arith.constant 144 : index
      %get3A_631 = tpu.vector_load %arg7[%get3A_629, %get3A_630] {strides = array<i32>} : memref<64x256xf32, #tpu.memory_space<vmem>>, vector<1x16xf32>,
      %get3A_632 = vector.shape_cast %get3A_631 : vector<1x16xf32> to vector<16xf32>
      %get3A_633 = arith.index_cast %select_n3A_592 : i32 to index
      %get3A_634 = arith.constant 160 : index
      %get3A_635 = tpu.vector_load %arg7[%get3A_633, %get3A_634] {strides = array<i32>} : memref<64x256xf32, #tpu.memory_space<vmem>>, vector<1x16xf32>,
      %get3A_636 = vector.shape_cast %get3A_635 : vector<1x16xf32> to vector<16xf32>
      %get3A_637 = arith.index_cast %select_n3A_592 : i32 to index
      %get3A_638 = arith.constant 176 : index
      %get3A_639 = tpu.vector_load %arg7[%get3A_637, %get3A_638] {strides = array<i32>} : memref<64x256xf32, #tpu.memory_space<vmem>>, vector<1x16xf32>,
      %get3A_640 = vector.shape_cast %get3A_639 : vector<1x16xf32> to vector<16xf32>
      %get3A_641 = arith.index_cast %select_n3A_592 : i32 to index
      %get3A_642 = arith.constant 192 : index
      %get3A_643 = tpu.vector_load %arg7[%get3A_641, %get3A_642] {strides = array<i32>} : memref<64x256xf32, #tpu.memory_space<vmem>>, vector<1x16xf32>,
      %get3A_644 = vector.shape_cast %get3A_643 : vector<1x16xf32> to vector<16xf32>
      %get3A_645 = arith.index_cast %select_n3A_592 : i32 to index
      %get3A_646 = arith.constant 208 : index
      %get3A_647 = tpu.vector_load %arg7[%get3A_645, %get3A_646] {strides = array<i32>} : memref<64x256xf32, #tpu.memory_space<vmem>>, vector<1x16xf32>,
      %get3A_648 = vector.shape_cast %get3A_647 : vector<1x16xf32> to vector<16xf32>
      %get3A_649 = arith.index_cast %select_n3A_592 : i32 to index
      %get3A_650 = arith.constant 224 : index
      %get3A_651 = tpu.vector_load %arg7[%get3A_649, %get3A_650] {strides = array<i32>} : memref<64x256xf32, #tpu.memory_space<vmem>>, vector<1x16xf32>,
      %get3A_652 = vector.shape_cast %get3A_651 : vector<1x16xf32> to vector<16xf32>
      %get3A_653 = arith.index_cast %select_n3A_592 : i32 to index
      %get3A_654 = arith.constant 240 : index
      %get3A_655 = tpu.vector_load %arg7[%get3A_653, %get3A_654] {strides = array<i32>} : memref<64x256xf32, #tpu.memory_space<vmem>>, vector<1x16xf32>,
      %get3A_656 = vector.shape_cast %get3A_655 : vector<1x16xf32> to vector<16xf32>
      %scan3A_657 = arith.constant 0 : i32
      %scan3A_658 = arith.constant 0 : i32
      %scan3A_659 = arith.constant 64 : i32
      %scan3A_660 = arith.addi %scan3A_658, %scan3A_659 : i32
      %scan3A_661 = arith.constant 1 : i32
      scf.for %scan3A_669 = %scan3A_658 to %scan3A_660 step %scan3A_661  : i32 {
        %swap3A = arith.index_cast %scan3A_669 : i32 to index
        %swap3A_670 = arith.constant 0 : index
        %swap3A_671 = tpu.vector_load %arg10[%swap3A, %swap3A_670] {strides = array<i32>} : memref<64x256xf32, #tpu.memory_space<vmem>>, vector<1x16xf32>,
        %swap3A_672 = vector.shape_cast %swap3A_671 : vector<1x16xf32> to vector<16xf32>
        %swap3A_673 = vector.shape_cast %get3A_596 : vector<16xf32> to vector<1x16xf32>
        tpu.vector_store %arg10[%swap3A, %swap3A_670], %swap3A_673 {strides = array<i32>} : memref<64x256xf32, #tpu.memory_space<vmem>>, vector<1x16xf32>,
        %swap3A_674 = arith.index_cast %scan3A_669 : i32 to index
        %swap3A_675 = arith.constant 16 : index
        %swap3A_676 = tpu.vector_load %arg10[%swap3A_674, %swap3A_675] {strides = array<i32>} : memref<64x256xf32, #tpu.memory_space<vmem>>, vector<1x16xf32>,
        %swap3A_677 = vector.shape_cast %swap3A_676 : vector<1x16xf32> to vector<16xf32>
        %swap3A_678 = vector.shape_cast %get3A_600 : vector<16xf32> to vector<1x16xf32>
        tpu.vector_store %arg10[%swap3A_674, %swap3A_675], %swap3A_678 {strides = array<i32>} : memref<64x256xf32, #tpu.memory_space<vmem>>, vector<1x16xf32>,
        %swap3A_679 = arith.index_cast %scan3A_669 : i32 to index
        %swap3A_680 = arith.constant 32 : index
        %swap3A_681 = tpu.vector_load %arg10[%swap3A_679, %swap3A_680] {strides = array<i32>} : memref<64x256xf32, #tpu.memory_space<vmem>>, vector<1x16xf32>,
        %swap3A_682 = vector.shape_cast %swap3A_681 : vector<1x16xf32> to vector<16xf32>
        %swap3A_683 = vector.shape_cast %get3A_604 : vector<16xf32> to vector<1x16xf32>
        tpu.vector_store %arg10[%swap3A_679, %swap3A_680], %swap3A_683 {strides = array<i32>} : memref<64x256xf32, #tpu.memory_space<vmem>>, vector<1x16xf32>,
        %swap3A_684 = arith.index_cast %scan3A_669 : i32 to index
        %swap3A_685 = arith.constant 48 : index
        %swap3A_686 = tpu.vector_load %arg10[%swap3A_684, %swap3A_685] {strides = array<i32>} : memref<64x256xf32, #tpu.memory_space<vmem>>, vector<1x16xf32>,
        %swap3A_687 = vector.shape_cast %swap3A_686 : vector<1x16xf32> to vector<16xf32>
        %swap3A_688 = vector.shape_cast %get3A_608 : vector<16xf32> to vector<1x16xf32>
        tpu.vector_store %arg10[%swap3A_684, %swap3A_685], %swap3A_688 {strides = array<i32>} : memref<64x256xf32, #tpu.memory_space<vmem>>, vector<1x16xf32>,
        %swap3A_689 = arith.index_cast %scan3A_669 : i32 to index
        %swap3A_690 = arith.constant 64 : index
        %swap3A_691 = tpu.vector_load %arg10[%swap3A_689, %swap3A_690] {strides = array<i32>} : memref<64x256xf32, #tpu.memory_space<vmem>>, vector<1x16xf32>,
        %swap3A_692 = vector.shape_cast %swap3A_691 : vector<1x16xf32> to vector<16xf32>
        %swap3A_693 = vector.shape_cast %get3A_612 : vector<16xf32> to vector<1x16xf32>
        tpu.vector_store %arg10[%swap3A_689, %swap3A_690], %swap3A_693 {strides = array<i32>} : memref<64x256xf32, #tpu.memory_space<vmem>>, vector<1x16xf32>,
        %swap3A_694 = arith.index_cast %scan3A_669 : i32 to index
        %swap3A_695 = arith.constant 80 : index
        %swap3A_696 = tpu.vector_load %arg10[%swap3A_694, %swap3A_695] {strides = array<i32>} : memref<64x256xf32, #tpu.memory_space<vmem>>, vector<1x16xf32>,
        %swap3A_697 = vector.shape_cast %swap3A_696 : vector<1x16xf32> to vector<16xf32>
        %swap3A_698 = vector.shape_cast %get3A_616 : vector<16xf32> to vector<1x16xf32>
        tpu.vector_store %arg10[%swap3A_694, %swap3A_695], %swap3A_698 {strides = array<i32>} : memref<64x256xf32, #tpu.memory_space<vmem>>, vector<1x16xf32>,
        %swap3A_699 = arith.index_cast %scan3A_669 : i32 to index
        %swap3A_700 = arith.constant 96 : index
        %swap3A_701 = tpu.vector_load %arg10[%swap3A_699, %swap3A_700] {strides = array<i32>} : memref<64x256xf32, #tpu.memory_space<vmem>>, vector<1x16xf32>,
        %swap3A_702 = vector.shape_cast %swap3A_701 : vector<1x16xf32> to vector<16xf32>
        %swap3A_703 = vector.shape_cast %get3A_620 : vector<16xf32> to vector<1x16xf32>
        tpu.vector_store %arg10[%swap3A_699, %swap3A_700], %swap3A_703 {strides = array<i32>} : memref<64x256xf32, #tpu.memory_space<vmem>>, vector<1x16xf32>,
        %swap3A_704 = arith.index_cast %scan3A_669 : i32 to index
        %swap3A_705 = arith.constant 112 : index
        %swap3A_706 = tpu.vector_load %arg10[%swap3A_704, %swap3A_705] {strides = array<i32>} : memref<64x256xf32, #tpu.memory_space<vmem>>, vector<1x16xf32>,
        %swap3A_707 = vector.shape_cast %swap3A_706 : vector<1x16xf32> to vector<16xf32>
        %swap3A_708 = vector.shape_cast %get3A_624 : vector<16xf32> to vector<1x16xf32>
        tpu.vector_store %arg10[%swap3A_704, %swap3A_705], %swap3A_708 {strides = array<i32>} : memref<64x256xf32, #tpu.memory_space<vmem>>, vector<1x16xf32>,
        %swap3A_709 = arith.index_cast %scan3A_669 : i32 to index
        %swap3A_710 = arith.constant 128 : index
        %swap3A_711 = tpu.vector_load %arg10[%swap3A_709, %swap3A_710] {strides = array<i32>} : memref<64x256xf32, #tpu.memory_space<vmem>>, vector<1x16xf32>,
        %swap3A_712 = vector.shape_cast %swap3A_711 : vector<1x16xf32> to vector<16xf32>
        %swap3A_713 = vector.shape_cast %get3A_628 : vector<16xf32> to vector<1x16xf32>
        tpu.vector_store %arg10[%swap3A_709, %swap3A_710], %swap3A_713 {strides = array<i32>} : memref<64x256xf32, #tpu.memory_space<vmem>>, vector<1x16xf32>,
        %swap3A_714 = arith.index_cast %scan3A_669 : i32 to index
        %swap3A_715 = arith.constant 144 : index
        %swap3A_716 = tpu.vector_load %arg10[%swap3A_714, %swap3A_715] {strides = array<i32>} : memref<64x256xf32, #tpu.memory_space<vmem>>, vector<1x16xf32>,
        %swap3A_717 = vector.shape_cast %swap3A_716 : vector<1x16xf32> to vector<16xf32>
        %swap3A_718 = vector.shape_cast %get3A_632 : vector<16xf32> to vector<1x16xf32>
        tpu.vector_store %arg10[%swap3A_714, %swap3A_715], %swap3A_718 {strides = array<i32>} : memref<64x256xf32, #tpu.memory_space<vmem>>, vector<1x16xf32>,
        %swap3A_719 = arith.index_cast %scan3A_669 : i32 to index
        %swap3A_720 = arith.constant 160 : index
        %swap3A_721 = tpu.vector_load %arg10[%swap3A_719, %swap3A_720] {strides = array<i32>} : memref<64x256xf32, #tpu.memory_space<vmem>>, vector<1x16xf32>,
        %swap3A_722 = vector.shape_cast %swap3A_721 : vector<1x16xf32> to vector<16xf32>
        %swap3A_723 = vector.shape_cast %get3A_636 : vector<16xf32> to vector<1x16xf32>
        tpu.vector_store %arg10[%swap3A_719, %swap3A_720], %swap3A_723 {strides = array<i32>} : memref<64x256xf32, #tpu.memory_space<vmem>>, vector<1x16xf32>,
        %swap3A_724 = arith.index_cast %scan3A_669 : i32 to index
        %swap3A_725 = arith.constant 176 : index
        %swap3A_726 = tpu.vector_load %arg10[%swap3A_724, %swap3A_725] {strides = array<i32>} : memref<64x256xf32, #tpu.memory_space<vmem>>, vector<1x16xf32>,
        %swap3A_727 = vector.shape_cast %swap3A_726 : vector<1x16xf32> to vector<16xf32>
        %swap3A_728 = vector.shape_cast %get3A_640 : vector<16xf32> to vector<1x16xf32>
        tpu.vector_store %arg10[%swap3A_724, %swap3A_725], %swap3A_728 {strides = array<i32>} : memref<64x256xf32, #tpu.memory_space<vmem>>, vector<1x16xf32>,
        %swap3A_729 = arith.index_cast %scan3A_669 : i32 to index
        %swap3A_730 = arith.constant 192 : index
        %swap3A_731 = tpu.vector_load %arg10[%swap3A_729, %swap3A_730] {strides = array<i32>} : memref<64x256xf32, #tpu.memory_space<vmem>>, vector<1x16xf32>,
        %swap3A_732 = vector.shape_cast %swap3A_731 : vector<1x16xf32> to vector<16xf32>
        %swap3A_733 = vector.shape_cast %get3A_644 : vector<16xf32> to vector<1x16xf32>
        tpu.vector_store %arg10[%swap3A_729, %swap3A_730], %swap3A_733 {strides = array<i32>} : memref<64x256xf32, #tpu.memory_space<vmem>>, vector<1x16xf32>,
        %swap3A_734 = arith.index_cast %scan3A_669 : i32 to index
        %swap3A_735 = arith.constant 208 : index
        %swap3A_736 = tpu.vector_load %arg10[%swap3A_734, %swap3A_735] {strides = array<i32>} : memref<64x256xf32, #tpu.memory_space<vmem>>, vector<1x16xf32>,
        %swap3A_737 = vector.shape_cast %swap3A_736 : vector<1x16xf32> to vector<16xf32>
        %swap3A_738 = vector.shape_cast %get3A_648 : vector<16xf32> to vector<1x16xf32>
        tpu.vector_store %arg10[%swap3A_734, %swap3A_735], %swap3A_738 {strides = array<i32>} : memref<64x256xf32, #tpu.memory_space<vmem>>, vector<1x16xf32>,
        %swap3A_739 = arith.index_cast %scan3A_669 : i32 to index
        %swap3A_740 = arith.constant 224 : index
        %swap3A_741 = tpu.vector_load %arg10[%swap3A_739, %swap3A_740] {strides = array<i32>} : memref<64x256xf32, #tpu.memory_space<vmem>>, vector<1x16xf32>,
        %swap3A_742 = vector.shape_cast %swap3A_741 : vector<1x16xf32> to vector<16xf32>
        %swap3A_743 = vector.shape_cast %get3A_652 : vector<16xf32> to vector<1x16xf32>
        tpu.vector_store %arg10[%swap3A_739, %swap3A_740], %swap3A_743 {strides = array<i32>} : memref<64x256xf32, #tpu.memory_space<vmem>>, vector<1x16xf32>,
        %swap3A_744 = arith.index_cast %scan3A_669 : i32 to index
        %swap3A_745 = arith.constant 240 : index
        %swap3A_746 = tpu.vector_load %arg10[%swap3A_744, %swap3A_745] {strides = array<i32>} : memref<64x256xf32, #tpu.memory_space<vmem>>, vector<1x16xf32>,
        %swap3A_747 = vector.shape_cast %swap3A_746 : vector<1x16xf32> to vector<16xf32>
        %swap3A_748 = vector.shape_cast %get3A_656 : vector<16xf32> to vector<1x16xf32>
        tpu.vector_store %arg10[%swap3A_744, %swap3A_745], %swap3A_748 {strides = array<i32>} : memref<64x256xf32, #tpu.memory_space<vmem>>, vector<1x16xf32>,
      }
      %scan3A_662 = arith.constant 64 : i32
      %mul3A_663 = arith.constant 64 : i32
      %mul3A_664 = arith.muli %add3A_429, %mul3A_663 : i32
      %dma_start3A_665 = arith.constant 0 : i32
      %dma_start3A_666 = tpu.memref_slice %arg6[%mul3A_664, %dma_start3A_665] : memref<69632x1024xf32, #tpu.memory_space<hbm>> -> memref<64x256xf32, #tpu.memory_space<hbm>>
      %dma_start3A_667 = arith.constant 0 : i32
      %dma_start3A_668 = tpu.memref_slice %arg6[%mul3A_664, %dma_start3A_667] : memref<69632x1024xf32, #tpu.memory_space<hbm>> -> memref<64x256xf32, #tpu.memory_space<hbm>>
      tpu.enqueue_dma source(%arg10 : memref<64x256xf32, #tpu.memory_space<vmem>>) target(%dma_start3A_668 : memref<64x256xf32, #tpu.memory_space<hbm>>) target_semaphore(%arg14 : memref<!tpu.dma_semaphore, #tpu.memory_space<semaphore_mem>>)
    }
    %scan3A_393 = arith.constant 17 : i32
    %sub3A_394 = arith.constant 1 : i32
    %sub3A_395 = arith.subi %add3A_4, %sub3A_394 : i32
    %mul3A_396 = arith.constant 64 : i32
    %mul3A_397 = arith.muli %sub3A_395, %mul3A_396 : i32
    %dma_wait3A_398 = arith.constant 512 : i32
    %dma_wait3A_399 = tpu.memref_slice %arg6[%mul3A_397, %dma_wait3A_398] : memref<69632x1024xf32, #tpu.memory_space<hbm>> -> memref<64x512xf32, #tpu.memory_space<hbm>>
    %dma_wait3A_400 = arith.constant 512 : i32
    %dma_wait3A_401 = tpu.memref_slice %arg6[%mul3A_397, %dma_wait3A_400] : memref<69632x1024xf32, #tpu.memory_space<hbm>> -> memref<64x512xf32, #tpu.memory_space<hbm>>
    tpu.wait_dma2 semaphore(%arg15 : memref<!tpu.dma_semaphore, #tpu.memory_space<semaphore_mem>>) src(%arg11 : memref<64x512xf32, #tpu.memory_space<vmem>>) dst(%dma_wait3A_401 : memref<64x512xf32, #tpu.memory_space<hbm>>)
    %sub3A_402 = arith.constant 1 : i32
    %sub3A_403 = arith.subi %add3A_4, %sub3A_402 : i32
    %mul3A_404 = arith.constant 64 : i32
    %mul3A_405 = arith.muli %sub3A_403, %mul3A_404 : i32
    %dma_wait3A_406 = arith.constant 256 : i32
    %dma_wait3A_407 = tpu.memref_slice %arg6[%mul3A_405, %dma_wait3A_406] : memref<69632x1024xf32, #tpu.memory_space<hbm>> -> memref<64x256xf32, #tpu.memory_space<hbm>>
    tpu.wait_dma2 semaphore(%arg16 : memref<!tpu.dma_semaphore, #tpu.memory_space<semaphore_mem>>) src(%arg12 : memref<64x256xf32, #tpu.memory_space<vmem_shared>>) dst(%dma_wait3A_407 : memref<64x256xf32, #tpu.memory_space<hbm>>)
    %sub3A_408 = arith.constant 2 : i32
    %sub3A_409 = arith.subi %add3A_4, %sub3A_408 : i32
    %mul3A_410 = arith.constant 64 : i32
    %mul3A_411 = arith.muli %sub3A_409, %mul3A_410 : i32
    %dma_wait3A_412 = arith.constant 0 : i32
    %dma_wait3A_413 = tpu.memref_slice %arg6[%mul3A_411, %dma_wait3A_412] : memref<69632x1024xf32, #tpu.memory_space<hbm>> -> memref<64x256xf32, #tpu.memory_space<hbm>>
    %dma_wait3A_414 = arith.constant 0 : i32
    %dma_wait3A_415 = tpu.memref_slice %arg6[%mul3A_411, %dma_wait3A_414] : memref<69632x1024xf32, #tpu.memory_space<hbm>> -> memref<64x256xf32, #tpu.memory_space<hbm>>
    tpu.wait_dma2 semaphore(%arg13 : memref<!tpu.dma_semaphore, #tpu.memory_space<semaphore_mem>>) src(%arg9 : memref<64x256xf32, #tpu.memory_space<vmem>>) dst(%dma_wait3A_415 : memref<64x256xf32, #tpu.memory_space<hbm>>)
    %sub3A_416 = arith.constant 1 : i32
    %sub3A_417 = arith.subi %add3A_4, %sub3A_416 : i32
    %mul3A_418 = arith.constant 64 : i32
    %mul3A_419 = arith.muli %sub3A_417, %mul3A_418 : i32
    %dma_wait3A_420 = arith.constant 0 : i32
    %dma_wait3A_421 = tpu.memref_slice %arg6[%mul3A_419, %dma_wait3A_420] : memref<69632x1024xf32, #tpu.memory_space<hbm>> -> memref<64x256xf32, #tpu.memory_space<hbm>>
    %dma_wait3A_422 = arith.constant 0 : i32
    %dma_wait3A_423 = tpu.memref_slice %arg6[%mul3A_419, %dma_wait3A_422] : memref<69632x1024xf32, #tpu.memory_space<hbm>> -> memref<64x256xf32, #tpu.memory_space<hbm>>
    tpu.wait_dma2 semaphore(%arg14 : memref<!tpu.dma_semaphore, #tpu.memory_space<semaphore_mem>>) src(%arg10 : memref<64x256xf32, #tpu.memory_space<vmem>>) dst(%dma_wait3A_423 : memref<64x256xf32, #tpu.memory_space<hbm>>)
    return
  }
}

</mosaic_0001>

<sc_bundles>
// kernel: kernel.3.cloned.1.call-start
scs
__scs_entry_jumppad:
0x0: {  	(pc) =	sbr.rel $0x88, $3  }
0x1: {  	(tag) =	ssettag $0x0;
	lr =	simm.s32 $0x1  }
0x2: {  	[smem:$0x3F9D] =	sst lr;
	_ =	strace $0xD0000000  }
0x3: {  	_ = 	snop  }
0x4: {  	_ = 	snop  }
0x5: {  	_ = 	snop  }
0x6: {  	_ = 	snop  }
0x7: {  	_ = 	snop  }
__scs_overlays_trampoline_lowered:
0x8: {  	[smem:$0x3FAC] =	sst s0  }
0x9: {  	[smem:$0x3FAD] =	sst s1  }
0xa: {  	[smem:$0x3FAE] =	sst s2  }
0xb: {  	[smem:$0x3FAF] =	sst s3  }
0xc: {  	[smem:$0x3FB0] =	sst s4  }
0xd: {  	[smem:$0x3FB1] =	sst s5  }
0xe: {  	[smem:$0x3FB2] =	sst s6  }
0xf: {  	[smem:$0x3FB3] =	sst s7  }
0x10: {  	[smem:$0x3FB4] =	sst s8  }
0x11: {  	[smem:$0x3FB5] =	sst s9;
	s0 =	simm.s32 @!p0 $0x0  }
0x12: {  	s1 =	sld [smem:$0x3F9B];
	s0 =	simm.s32 @p0 $0x1  }
0x13: {  	[smem:$0x3FB6] =	sst s0;
	s0 =	simm.s32 @!p1 $0x0  }
0x14: {  	s2 =	sld [smem:$0x3F9A];
	s0 =	simm.s32 @p1 $0x1  }
0x15: {  	[smem:$0x3FB7] =	sst s0;
	s0 =	simm.s32 @!p2 $0x0  }
0x16: {  	s3 =	sld [smem:$0x3FDB];
	s0 =	simm.s32 @p2 $0x1  }
0x17: {  	s4 =	simm.s32 $0x1BF5;
	[smem:$0x3FB9] =	sst s0  }
0x18: {  	s0 =	sld [smem:$0x3F9C];
	_ =	swait.ge [sflag:s4], $0x0  }
0x19: {  	s7 =	sld [smem:$0x3F9D]  }
0x1a: {  	s8 =	sadd.s32 $0xFFFFE003, lr  }
0x1b: {  	s9 =	sadd.s32 $0xFFFFFEF7, lr;
	s5 =	simm.s32 $0xFFFFFFFF;
	p2 =	slt.u32 s8, $0xFFFFF086  }
0x1c: {  	p1 =	slt.u32 s9, $0xF7A;
	s5 =	simm.s32 @!p2 $0x0  }
0x1d: {  	s5 =	simm.s32 @p1 $0x1;
	p0 =	seq.s32 s7, s2  }
0x1e: {  	s7 =	smul.u32 @!p0 $0xF7A, s2;
	p2 =	seq.s32 @!p0 s5, $0x0  }
0x1f: {  	s9 =	smul.u32 $0xF7A, s1;
	s8 =	simm.s32 @!p0 $0x1BF5;
	p2 =	por !p2, p0  }
0x20: {  	[sflag:s8] =	ssyncset.s32 @!p0 $0xFFFFF086;
	s6 =	sadd.s32 @!p0 s3, s7;
	s7 =	simm.s32 @!p0 $0x108  }
0x21: {  	s3 =	sadd.s32 s3, s9;
	s6 =	sadd.s32 @!p0 $0x88, s6;
	s7 =	simm.s32 @p2 $0x1082  }
0x22: {  	[simem:s7], [sflag:s8] =	dma.local @!p0 [hbm:s6], $0xF7A  }
0x23: {  	s9 =	sor.u32 $0xD0000000, s2;
	s6 =	simm.s32 $0x108;
	_ =	swait.ge @!p0 [sflag:s8], $0x0  }
0x24: {  	s3 =	sadd.s32 $0x88, s3;
	s6 =	simm.s32 @!p1 $0x1082;
	[sflag:s4] =	ssyncset.s32 $0xFFFFF086  }
0x25: {  	[simem:s6], [sflag:s4] =	dma.local [hbm:s3], $0xF7A  }
0x26: {  	[smem:$0x3F9D] =	sst s1;
	(tag) =	ssettag s2;
	_ =	strace s9  }
0x27: {  	s1 =	sld [smem:$0x3FAD]  }
0x28: {  	s2 =	sld [smem:$0x3FAE]  }
0x29: {  	s4 =	sld [smem:$0x3FB0]  }
0x2a: {  	p0 =	seq.s32 s5, $0x0;
	s5 =	sld [smem:$0x3FB1]  }
0x2b: {  	s6 =	sld [smem:$0x3FB2]  }
0x2c: {  	s7 =	sld [smem:$0x3FB3]  }
0x2d: {  	s3 =	simm.s32 $0x108;
	s8 =	sld [smem:$0x3FB4]  }
0x2e: {  	s3 =	simm.s32 @!p0 $0x1082;
	s9 =	sld [smem:$0x3FB5]  }
0x2f: {  	lr =	sadd.s32 s0, s3;
	s0 =	sld [smem:$0x3FAC]  }
0x30: {  	s3 =	sld [smem:$0x3FAF]  }
0x31: {  	[smem:$0x3FB8] =	sst s10  }
0x32: {  	s10 =	sld [smem:$0x3FB6];
	_ =	sdelay $0x3  }
0x33: {  	p0 =	seq.s32 s10, $0x1;
	s10 =	sld [smem:$0x3FB8];
	_ =	sdelay $0x3  }
0x34: {  	[smem:$0x3FB8] =	sst s10  }
0x35: {  	s10 =	sld [smem:$0x3FB7];
	_ =	sdelay $0x3  }
0x36: {  	p1 =	seq.s32 s10, $0x1;
	s10 =	sld [smem:$0x3FB8];
	_ =	sdelay $0x3  }
0x37: {  	[smem:$0x3FB8] =	sst s10  }
0x38: {  	s10 =	sld [smem:$0x3FB9]  }
0x39: {  	_ = 	snop;
	(pc) =	sbr.ind lr, $3  }
0x3a: {  	_ = 	snop  }
0x3b: {  	_ = 	snop  }
0x3c: {  	p2 =	seq.s32 s10, $0x1;
	s10 =	sld [smem:$0x3FB8]  }
0x3d: {  	_ =	shalt  }
0x3e: {  	_ =	shalt  }
0x3f: {  	_ =	shalt  }
0x40: {  	_ =	shalt  }
0x41: {  	_ =	shalt  }
0x42: {  	_ =	shalt  }
0x43: {  	_ =	shalt  }
0x44: {  	_ =	shalt  }
0x45: {  	_ =	shalt  }
0x46: {  	_ =	shalt  }
0x47: {  	_ =	shalt  }
0x48: {  	_ =	shalt  }
0x49: {  	_ =	shalt  }
0x4a: {  	_ =	shalt  }
0x4b: {  	_ =	shalt  }
0x4c: {  	_ =	shalt  }
0x4d: {  	_ =	shalt  }
0x4e: {  	_ =	shalt  }
0x4f: {  	_ =	shalt  }
0x50: {  	_ =	shalt  }
0x51: {  	_ =	shalt  }
0x52: {  	_ =	shalt  }
0x53: {  	_ =	shalt  }
0x54: {  	_ =	shalt  }
0x55: {  	_ =	shalt  }
0x56: {  	_ =	shalt  }
0x57: {  	_ =	shalt  }
0x58: {  	_ =	shalt  }
0x59: {  	_ =	shalt  }
0x5a: {  	_ =	shalt  }
0x5b: {  	_ =	shalt  }
0x5c: {  	_ =	shalt  }
0x5d: {  	_ =	shalt  }
0x5e: {  	_ =	shalt  }
0x5f: {  	_ =	shalt  }
0x60: {  	_ =	shalt  }
0x61: {  	_ =	shalt  }
0x62: {  	_ =	shalt  }
0x63: {  	_ =	shalt  }
0x64: {  	_ =	shalt  }
0x65: {  	_ =	shalt  }
0x66: {  	_ =	shalt  }
0x67: {  	_ =	shalt  }
0x68: {  	_ =	shalt  }
0x69: {  	_ =	shalt  }
0x6a: {  	_ =	shalt  }
0x6b: {  	_ =	shalt  }
0x6c: {  	_ =	shalt  }
0x6d: {  	_ =	shalt  }
0x6e: {  	_ =	shalt  }
0x6f: {  	_ =	shalt  }
0x70: {  	_ =	shalt  }
0x71: {  	_ =	shalt  }
0x72: {  	_ =	shalt  }
0x73: {  	_ =	shalt  }
0x74: {  	_ =	shalt  }
0x75: {  	_ =	shalt  }
0x76: {  	_ =	shalt  }
0x77: {  	_ =	shalt  }
0x78: {  	_ =	shalt  }
0x79: {  	_ =	shalt  }
0x7a: {  	_ =	shalt  }
0x7b: {  	_ =	shalt  }
0x7c: {  	_ =	shalt  }
0x7d: {  	_ =	shalt  }
0x7e: {  	_ =	shalt  }
0x7f: {  	_ =	shalt  }
0x80: {  	_ =	shalt  }
0x81: {  	_ =	shalt  }
0x82: {  	_ =	shalt  }
0x83: {  	_ =	shalt  }
0x84: {  	_ =	shalt  }
0x85: {  	_ =	shalt  }
0x86: {  	_ =	shalt  }
0x87: {  	_ =	shalt  }
.Lfunc_end0:
.L_simem_size_0:
called_computation_lowered:
.L_overlay_start_0:
0x88: {  	s2 =	sld [smem:$0x3FD9]  }
0x89: {  	s3 =	sld [smem:$0x3FFE];
	_ =	sdelay $0x1  }
0x8a: {  	s1 =	srdreg.scid  }
0x8b: {  	s0 =	sand.u32 $0x1, s1  }
0x8c: {  	s18 =	sshll.u32 s0, $0xA;
	s2 =	sadd.s32 s3, s2  }
0x8d: {  	s2 =	sadd.s32 s2, s18  }
0x8e: {  	[smem:$0x3FC4] =	sst s2  }
0x8f: {  	_ = 	snop  }
0x90: {  	s2 =	sld [smem:$0x3FC9]  }
0x91: {  	s19 =	sld [smem:$0x3FC8]  }
0x92: {  	s4 =	sld [smem:$0x3FC7]  }
0x93: {  	s5 =	sld [smem:$0x3FC6]  }
0x94: {  	s6 =	sld [smem:$0x3FD0];
	(tm) =	ssettm $0x1  }
0x95: {  	s7 =	sld [smem:$0x3FFB];
	_ =	sdelay $0x3  }
0x96: {  	_ =	strace s7  }
0x97: {  	s7 =	sld [smem:$0x3FFC];
	_ =	sdelay $0x3  }
0x98: {  	_ =	strace s7  }
0x99: {  	s7 =	sld [smem:$0x3FFD];
	_ =	sdelay $0x3  }
0x9a: {  	_ =	strace s7  }
0x9b: {  	_ =	strace $0x8FFFFFFF  }
0x9c: {  	s20 =	sld [smem:$0x3FDB];
	_ =	sdelay $0x1  }
0x9d: {  	s8 =	simm.s32 $_scs_section_size  }
0x9e: {  	s9 =	simm.s32 $_size__tile_overlayer_lowered;
	s10 =	simm.s32 $_tile_overlayer_lowered  }
0x9f: {  	s23 =	simm.s32 $0x1BFF;
	s22 =	sshll.u32 s10, $0x1;
	s7 =	sadd.s32 s8, s20  }
0xa0: {  	s11 =	simm.s32 $0x0;
	s21 =	sshll.u32 s9, $0x1;
	s9 =	sadd.s32 s22, s7  }
0xa1: {  	[timem:s11], [sflag:s23] =	dma.local [hbm:s9], s21  }
0xa2: {  	_ =	swait.ge [sflag:s23], s21  }
0xa3: {  	s8 =	ssub.s32 $0x0, s21;
	[sflag:s23] =	ssyncset.done $0x0  }
0xa4: {  	[sflag:s23] =	ssyncadd.s32 s8;
	_ =	sdelay $0x1  }
0xa5: {  	s24 =	simm.s32 $0x1B8B  }
0xa6: {  	_ =	swait.ge [sflag:s24], $0x1  }
0xa7: {  	[sflag:s24] =	ssyncset.done $0x0  }
0xa8: {  	s25 =	simm.s32 $0x1B8E;
	[sflag:s24] =	ssyncadd.s32 $0xFFFFFFFF  }
0xa9: {  	s26 =	simm.s32 $execute0_lowered;
	[smem:$0x3FD2] =	sst s25  }
0xaa: {  	s8 =	sshll.u32 s26, $0x1;
	_ =	strace $0x80000046;
	[dreg:$0x1] =	wrdreg $0xFFFFFFFF  }
0xab: {  	s28 =	simm.s32 $_size_execute0_lowered;
	s7 =	sadd.s32 s7, s8;
	[dreg:$0x0] =	wrdreg $0x0  }
0xac: {  	s8 =	sshll.u32 s28, $0x1;
	[dreg:$0x2] =	wrdreg s7  }
0xad: {  	[dreg:$0x3] =	wrdreg s8  }
0xae: {  	[dreg:$0x4] =	wrdreg $0xC0  }
0xaf: {  	_ =	task [dreg:s11], $0x5FFFF  }
0xb0: {  	[dreg:$0x1] =	wrdreg $0xFFFFFFFF  }
0xb1: {  	[dreg:$0x0] =	wrdreg $0x60  }
0xb2: {  	[dreg:$0x2] =	wrdreg s2  }
0xb3: {  	[dreg:$0x3] =	wrdreg s19  }
0xb4: {  	[dreg:$0x4] =	wrdreg s4  }
0xb5: {  	[dreg:$0x5] =	wrdreg s5  }
0xb6: {  	[dreg:$0x6] =	wrdreg s6  }
0xb7: {  	[dreg:$0x7] =	wrdreg $0x144000  }
0xb8: {  	[dreg:$0x8] =	wrdreg $0x9  }
0xb9: {  	_ =	task.clear_ibuf [dreg:s11], $0x9FFFF;
	_ =	strace $0x90000046  }
0xba: {  	s29 =	simm.s32 $0x9;
	_ =	strace $0x80000048  }
0xbb: {  	_ =	swait.ge [sflag:s29], $0x1  }
0xbc: {  	[sflag:s29] =	ssyncadd.s32 $0xFFFFFFFF  }
0xbd: {  	_ =	strace $0x90000048  }
0xbe: {  	_ =	sfence  }
0xbf: {  	s30 =	sld [smem:$0x0];
	_ =	sdelay $0x2  }
0xc0: {  	s31 =	sshll.u32 s1, $0xD;
	s1 =	sshrl.u32 s1, $0x2  }
0xc1: {  	s3 =	sand.u32 $0x4000, s31;
	s1 =	sadd.s32 s1, s30  }
0xc2: {  	s0 =	sor.u32 s3, s0;
	s1 =	sshll.u32 s1, $0x11  }
0xc3: {  	s0 =	sor.u32 s1, s0  }
0xc4: {  	s0 =	sadd.s32 $0x8F2B, s0  }
0xc5: {  	[sflag:s0] =	ssyncadd.remote.s32 $0x1  }
0xc6: {  	_ =	sfence.sel $0xFFFF  }
0xc7: {  	[dreg:$0x0] =	wrdreg $0xFFFFFFFF;
	(pc) =	sbr.abs _section_cstart, $3  }
0xc8: {  	[dreg:$0x1] =	wrdreg $0xFFFFFFFF  }
0xc9: {  	_ =	task.clear_ibuf [dreg:s11], $0x2FFFF;
	_ =	strace $0x9FFFFFFF  }
0xca: {  	(tm) =	ssettm $0x7FFFFFFF  }
0xcb: {  	_ =	shalt  }
tec
execute0_lowered:
.L_overlay_start_1:
0x0: {  	(tag) =	ssettag $0x1  }
0x1: {  	s0 =	rddreg [dreg:$0x2];
	s1 =	srdreg.scid  }
0x2: {  	s2 =	stileid.u32;
	s3 =	rddreg [dreg:$0x3]  }
0x3: {  	s4 =	rddreg [dreg:$0x4];
	s8 =	simm.s32 $0x0;
	s28 =	simm.s32 $0x5  }
0x4: {  	s29 =	simm.s32 $0x1000;
	s30 =	simm.s32 $0x2000;
	s31 =	simm.s32 $0xC400  }
0x5: {  	s1 =	sand.u32 $0x1, s1;
	s5 =	sshll.u32 s2, $0x1;
	[smem:$0x7FF] =	sst s8  }
0x6: {  	s13 =	sadd.s32 $0x200, s4;
	s14 =	sadd.s32 $0x100, s4;
	s7 =	sor.u32 s1, s5  }
0x7: {  	p0 =	sne.s32 s2, $0x0;
	s1 =	ssub.s32 $0x2, s1;
	s6 =	smul.u32 $0x22, s7  }
0x8: {  	s5 =	rddreg [dreg:$0x5];
	s16 =	sshrl.u32 s1, $0x1;
	s7 =	smul.u32 $0x44, s7  }
0x9: {  	_ =	strace $0x80000047;
	s1 =	ssub.s32 s1, s16;
	s9 =	sshrl.u32 s6, $0x6  }
0xa: {  	s18 =	sadd.s32 $0x22, s6;
	s19 =	sshrl.u32 s6, $0x2;
	s7 =	sand.u32 $0x800, s7  }
0xb: {  	s20 =	sand.u32 $0x380, s6;
	s24 =	smax.u32 s1, $0x1;
	s1 =	simm.s32 $0x100  }
0xc: {  	s17 =	sadd.s32 $0x1, s9;
	s9 =	sand.u32 $0x10, s19;
	s7 =	sor.u32 s20, s7  }
0xd: {  	[dreg:$0xb] =	wrdreg s24;
	s10 =	sshll.u32 s17, $0x6;
	s11 =	smin.u32 s17, $0x10  }
0xe: {  	s12 =	sadd.s32 s0, s9;
	s7 =	sshrl.u32 s7, $0x3;
	s8 =	smin.u32 s18, s10  }
0xf: {  	s21 =	sshll.u32 s11, $0x3;
	s22 =	sshll.u32 s11, $0x4;
	[dreg:$0x7] =	wrdreg s12  }
0x10: {  	s25 =	sadd.s32 $0x20, s12;
	s9 =	sand.u32 $0x70, s21;
	s11 =	sand.u32 $0x10, s22  }
0x11: {  	s10 =	sand.u32 $0x100, s22;
	[dreg:$0xd] =	wrdreg s25;
	s0 =	sadd.s32 s0, s11  }
0x12: {  	s9 =	sadd.s32 s3, s9;
	s3 =	sadd.s32 s3, s7;
	[dreg:$0x9] =	wrdreg s0  }
0x13: {  	s19 =	simm.s32 $0x4400;
	s23 =	sadd.s32 s10, s9;
	[dreg:$0x8] =	wrdreg s3  }
0x14: {  	s20 =	simm.s32 $0x3;
	s0 =	sshrl.u32 @!p0 s5, $0x3;
	[dreg:$0xa] =	wrdreg s23  }
0x15: {  	s17 =	simm.s32 $0x800;
	s26 =	sadd.s32 $0x80, s3;
	[dreg:$0xc] =	wrdreg s0  }
0x16: {  	s22 =	simm.s32 $0x4;
	s3 =	simm.s32 $0x10;
	[dreg:$0xe] =	wrdreg s26  }
0x17: {  	s0 =	simm.s32 $0x400;
	s23 =	simm.s32 $0x8400;
	s26 =	simm.s32 $0x0  }
.LBB2_1:
0x18: {  	s9 =	rddreg [dreg:$0x1]  }
0x19: {  	s7 =	simm.s32 @!p0 $0x1C06;
	s10 =	rddreg [dreg:$0xc]  }
0x1a: {  	[spmem:s10], [sflag:s7] =	dma.local @!p0 [hbm:s9], $0x800  }
0x1b: {  	s7 =	simm.s32 @!p0 $0x6  }
0x1c: {  	_ =	swait.ge @!p0 [sflag:s7], $0x800  }
0x1d: {  	[sflag:s7] =	ssyncset.done @!p0 $0x0  }
0x1e: {  	[sflag:s7] =	ssyncadd.s32 @!p0 $0xFFFFF800  }
0x1f: {  	s9 =	simm.s32 $0x0;
	s7 =	rddreg [dreg:$0x0]  }
0x20: {  	[tilespmem:s9], [sflag:$0x5] =	stream.linear.gather [hbm4b:s7+s9], $0x4000, $0x38;
	[tilespmem:$0x14800] =	vst v63  }
0x21: {  	s12 =	simm.s32 $0x4000;
	s11 =	rddreg [dreg:$0x7]  }
0x22: {  	[tilespmem:s12], [sflag:$0x5] =	stream.linear.gather [hbm4b:s11+s9], $0x80, $0x38;
	[tilespmem:$0x14800] =	vst v63  }
0x23: {  	s16 =	simm.s32 $0x4100;
	s15 =	rddreg [dreg:$0xd]  }
0x24: {  	[tilespmem:s16], [sflag:$0x5] =	stream.linear.gather [hbm4b:s15+s9], $0x80, $0x38;
	[tilespmem:$0x14800] =	vst v63  }
0x25: {  	s21 =	simm.s32 $0x4200;
	s18 =	rddreg [dreg:$0x8]  }
0x26: {  	[tilespmem:s21], [sflag:$0x5] =	stream.linear.gather [hbm4b:s18+s9], $0x80, $0x38;
	[tilespmem:$0x14800] =	vst v63  }
0x27: {  	s25 =	simm.s32 $0x4300;
	s24 =	rddreg [dreg:$0xe]  }
0x28: {  	[tilespmem:s25], [sflag:$0x5] =	stream.linear.gather [hbm4b:s24+s9], $0x80, $0x38;
	[tilespmem:$0x14800] =	vst v63  }
0x29: {  	s11 =	rddreg [dreg:$0x9];
	s12 =	simm.s32 $0x4080  }
0x2a: {  	[tilespmem:s12], [sflag:$0x5] =	stream.linear.gather [hbm4b:s11+s9], $0x80, $0x38;
	[tilespmem:$0x14800] =	vst v63  }
0x2b: {  	s7 =	sadd.s32 $0x20, s11;
	s15 =	simm.s32 $0x4180  }
0x2c: {  	[tilespmem:s15], [sflag:$0x5] =	stream.linear.gather [hbm4b:s7+s9], $0x80, $0x38;
	[tilespmem:$0x14800] =	vst v63  }
0x2d: {  	s16 =	rddreg [dreg:$0xa];
	s18 =	simm.s32 $0x4280  }
0x2e: {  	[tilespmem:s18], [sflag:$0x5] =	stream.linear.gather [hbm4b:s16+s9], $0x80, $0x38;
	[tilespmem:$0x14800] =	vst v63  }
0x2f: {  	s21 =	simm.s32 $0x4380;
	s7 =	sadd.s32 $0x80, s16  }
0x30: {  	[tilespmem:s21], [sflag:$0x5] =	stream.linear.gather [hbm4b:s7+s9], $0x80, $0x38;
	[tilespmem:$0x14800] =	vst v63  }
0x31: {  	_ =	swait.ge [sflag:s28], $0x4000  }
0x32: {  	[sflag:s28] =	ssyncset.done $0x0  }
0x33: {  	[sflag:s28] =	ssyncadd.s32 $0xFFFFC000  }
0x34: {  	_ =	swait.ge [sflag:s28], $0x100  }
0x35: {  	[sflag:s28] =	ssyncset.done $0x0  }
0x36: {  	[sflag:s28] =	ssyncadd.s32 $0xFFFFFF00  }
0x37: {  	_ =	swait.ge [sflag:s28], $0x100  }
0x38: {  	[sflag:s28] =	ssyncset.done $0x0  }
0x39: {  	[sflag:s28] =	ssyncadd.s32 $0xFFFFFF00  }
0x3a: {  	_ =	swait.ge [sflag:s28], $0x100  }
0x3b: {  	[sflag:s28] =	ssyncset.done $0x0  }
0x3c: {  	[sflag:s28] =	ssyncadd.s32 $0xFFFFFF00  }
0x3d: {  	_ =	swait.ge [sflag:s28], $0x100  }
0x3e: {  	[sflag:s28] =	ssyncset.done $0x0  }
0x3f: {  	[sflag:s28] =	ssyncadd.s32 $0xFFFFFF00  }
0x40: {  	v0 =	vld [tilespmem:$0x4000]  }
0x41: {  	v1 =	vld [tilespmem:$0x4010]  }
0x42: {  	v2 =	vld [tilespmem:$0x4020]  }
0x43: {  	v3 =	vld [tilespmem:$0x4030]  }
0x44: {  	v4 =	vld [tilespmem:$0x4040]  }
0x45: {  	v5 =	vld [tilespmem:$0x4050]  }
0x46: {  	v6 =	vld [tilespmem:$0x4060]  }
0x47: {  	v7 =	vld [tilespmem:$0x4070]  }
0x48: {  	v8 =	vld [tilespmem:$0x4100]  }
0x49: {  	v9 =	vld [tilespmem:$0x4110]  }
0x4a: {  	v10 =	vld [tilespmem:$0x4120]  }
0x4b: {  	v11 =	vld [tilespmem:$0x4130]  }
0x4c: {  	v12 =	vld [tilespmem:$0x4140]  }
0x4d: {  	v13 =	vld [tilespmem:$0x4150]  }
0x4e: {  	v14 =	vld [tilespmem:$0x4160]  }
0x4f: {  	v15 =	vld [tilespmem:$0x4170]  }
0x50: {  	v16 =	vld [tilespmem:$0x4200]  }
0x51: {  	v17 =	vld [tilespmem:$0x4210]  }
0x52: {  	v18 =	vld [tilespmem:$0x4220]  }
0x53: {  	v19 =	vld [tilespmem:$0x4230]  }
0x54: {  	v20 =	vld [tilespmem:$0x4240]  }
0x55: {  	v21 =	vld [tilespmem:$0x4250]  }
0x56: {  	v22 =	vld [tilespmem:$0x4260]  }
0x57: {  	v23 =	vld [tilespmem:$0x4270]  }
0x58: {  	v24 =	vld [tilespmem:$0x4300]  }
0x59: {  	v25 =	vld [tilespmem:$0x4310]  }
0x5a: {  	v31 =	vld [tilespmem:$0x4370]  }
0x5b: {  	v26 =	vld [tilespmem:$0x4320]  }
0x5c: {  	v27 =	vld [tilespmem:$0x4330]  }
0x5d: {  	s24 =	sand.u32 $0x7000, s9;
	s9 =	sand.u32 $0x380, s9;
	v28 =	vld [tilespmem:$0x4340]  }
0x5e: {  	s9 =	sor.u32 s9, s24;
	v29 =	vld [tilespmem:$0x4350]  }
0x5f: {  	v30 =	vld [tilespmem:$0x4360];
	[tilespmem:s9+$0xD070] =	vst v31  }
0x60: {  	[tilespmem:s9+$0xC400] =	vst v0  }
0x61: {  	[tilespmem:s9+$0xC410] =	vst v1  }
0x62: {  	[tilespmem:s9+$0xC420] =	vst v2  }
0x63: {  	[tilespmem:s9+$0xC430] =	vst v3  }
0x64: {  	[tilespmem:s9+$0xC440] =	vst v4  }
0x65: {  	[tilespmem:s9+$0xC450] =	vst v5  }
0x66: {  	[tilespmem:s9+$0xC460] =	vst v6  }
0x67: {  	[tilespmem:s9+$0xC470] =	vst v7  }
0x68: {  	[tilespmem:s9+$0xC800] =	vst v8  }
0x69: {  	[tilespmem:s9+$0xC810] =	vst v9  }
0x6a: {  	[tilespmem:s9+$0xC820] =	vst v10  }
0x6b: {  	[tilespmem:s9+$0xC830] =	vst v11  }
0x6c: {  	[tilespmem:s9+$0xC840] =	vst v12  }
0x6d: {  	[tilespmem:s9+$0xC850] =	vst v13  }
0x6e: {  	[tilespmem:s9+$0xC860] =	vst v14  }
0x6f: {  	[tilespmem:s9+$0xC870] =	vst v15  }
0x70: {  	[tilespmem:s9+$0xCC00] =	vst v16  }
0x71: {  	[tilespmem:s9+$0xCC10] =	vst v17  }
0x72: {  	[tilespmem:s9+$0xCC20] =	vst v18  }
0x73: {  	[tilespmem:s9+$0xCC30] =	vst v19  }
0x74: {  	[tilespmem:s9+$0xCC40] =	vst v20  }
0x75: {  	[tilespmem:s9+$0xCC50] =	vst v21  }
0x76: {  	[tilespmem:s9+$0xCC60] =	vst v22  }
0x77: {  	[tilespmem:s9+$0xCC70] =	vst v23  }
0x78: {  	[tilespmem:s9+$0xD000] =	vst v24  }
0x79: {  	[tilespmem:s9+$0xD010] =	vst v25  }
0x7a: {  	[tilespmem:s9+$0xD020] =	vst v26  }
0x7b: {  	[tilespmem:s9+$0xD030] =	vst v27  }
0x7c: {  	s10 =	simm.s32 $0x80;
	s25 =	simm.s32 $0x200;
	[tilespmem:s9+$0xD040] =	vst v28  }
0x7d: {  	s11 =	sand.u32 $0x7000, s25;
	s12 =	sand.u32 $0x380, s10;
	s15 =	simm.s32 $0x400;
	[tilespmem:s9+$0xD050] =	vst v29  }
.LBB2_2:
0x7e: {  	p1 =	sne.s32 s15, $0x7E00;
	[tilespmem:s9+$0xD060] =	vst v30;
	s9 =	sor.u32 s12, s11  }
0x7f: {  	[tilespmem:s9+$0xD070] =	vst v31  }
0x80: {  	[tilespmem:s9+$0xC400] =	vst v0  }
0x81: {  	[tilespmem:s9+$0xC410] =	vst v1  }
0x82: {  	[tilespmem:s9+$0xC420] =	vst v2  }
0x83: {  	[tilespmem:s9+$0xC430] =	vst v3  }
0x84: {  	[tilespmem:s9+$0xC440] =	vst v4  }
0x85: {  	[tilespmem:s9+$0xC450] =	vst v5  }
0x86: {  	[tilespmem:s9+$0xC460] =	vst v6  }
0x87: {  	[tilespmem:s9+$0xC470] =	vst v7  }
0x88: {  	[tilespmem:s9+$0xC800] =	vst v8  }
0x89: {  	[tilespmem:s9+$0xC810] =	vst v9  }
0x8a: {  	[tilespmem:s9+$0xC820] =	vst v10  }
0x8b: {  	[tilespmem:s9+$0xC830] =	vst v11  }
0x8c: {  	[tilespmem:s9+$0xC840] =	vst v12  }
0x8d: {  	[tilespmem:s9+$0xC850] =	vst v13  }
0x8e: {  	[tilespmem:s9+$0xC860] =	vst v14  }
0x8f: {  	[tilespmem:s9+$0xC870] =	vst v15  }
0x90: {  	[tilespmem:s9+$0xCC00] =	vst v16  }
0x91: {  	[tilespmem:s9+$0xCC10] =	vst v17  }
0x92: {  	[tilespmem:s9+$0xCC20] =	vst v18  }
0x93: {  	[tilespmem:s9+$0xCC30] =	vst v19  }
0x94: {  	[tilespmem:s9+$0xCC40] =	vst v20  }
0x95: {  	[tilespmem:s9+$0xCC50] =	vst v21  }
0x96: {  	[tilespmem:s9+$0xCC60] =	vst v22  }
0x97: {  	[tilespmem:s9+$0xCC70] =	vst v23  }
0x98: {  	[tilespmem:s9+$0xD000] =	vst v24  }
.Ltmp0:
0x99: {  	[tilespmem:s9+$0xD010] =	vst v25;
	(pc) =	sbr.rel @p1 .LBB2_2-.Ltmp0, $4  }
0x9a: {  	[tilespmem:s9+$0xD020] =	vst v26  }
0x9b: {  	[tilespmem:s9+$0xD030] =	vst v27  }
0x9c: {  	s10 =	sadd.s32 $0x80, s10;
	[tilespmem:s9+$0xD040] =	vst v28  }
0x9d: {  	s11 =	sand.u32 $0x7000, s15;
	s15 =	sadd.s32 $0x200, s15;
	s12 =	sand.u32 $0x380, s10;
	[tilespmem:s9+$0xD050] =	vst v29  }
0x9e: {  	s7 =	sor.u32 s12, s11;
	[tilespmem:s9+$0xD060] =	vst v30  }
0x9f: {  	[tilespmem:s7+$0xD070] =	vst v31  }
0xa0: {  	[tilespmem:s7+$0xC400] =	vst v0  }
0xa1: {  	[tilespmem:s7+$0xC410] =	vst v1  }
0xa2: {  	[tilespmem:s7+$0xC420] =	vst v2  }
0xa3: {  	[tilespmem:s7+$0xC430] =	vst v3  }
0xa4: {  	[tilespmem:s7+$0xC440] =	vst v4  }
0xa5: {  	[tilespmem:s7+$0xC450] =	vst v5  }
0xa6: {  	[tilespmem:s7+$0xC460] =	vst v6  }
0xa7: {  	[tilespmem:s7+$0xC470] =	vst v7  }
0xa8: {  	[tilespmem:s7+$0xC800] =	vst v8  }
0xa9: {  	[tilespmem:s7+$0xC810] =	vst v9  }
0xaa: {  	[tilespmem:s7+$0xC820] =	vst v10  }
0xab: {  	[tilespmem:s7+$0xC830] =	vst v11  }
0xac: {  	[tilespmem:s7+$0xC840] =	vst v12  }
0xad: {  	[tilespmem:s7+$0xC850] =	vst v13  }
0xae: {  	[tilespmem:s7+$0xC860] =	vst v14  }
0xaf: {  	[tilespmem:s7+$0xC870] =	vst v15  }
0xb0: {  	[tilespmem:s7+$0xCC00] =	vst v16  }
0xb1: {  	[tilespmem:s7+$0xCC10] =	vst v17  }
0xb2: {  	[tilespmem:s7+$0xCC20] =	vst v18  }
0xb3: {  	[tilespmem:s7+$0xCC30] =	vst v19  }
0xb4: {  	[tilespmem:s7+$0xCC40] =	vst v20  }
0xb5: {  	[tilespmem:s7+$0xCC50] =	vst v21  }
0xb6: {  	[tilespmem:s7+$0xCC60] =	vst v22  }
0xb7: {  	[tilespmem:s7+$0xCC70] =	vst v23  }
0xb8: {  	[tilespmem:s7+$0xD000] =	vst v24  }
0xb9: {  	[tilespmem:s7+$0xD010] =	vst v25  }
0xba: {  	[tilespmem:s7+$0xD020] =	vst v26  }
0xbb: {  	[tilespmem:s7+$0xD030] =	vst v27  }
0xbc: {  	[tilespmem:s7+$0xD040] =	vst v28  }
0xbd: {  	[tilespmem:s7+$0xD050] =	vst v29  }
0xbe: {  	[tilespmem:s7+$0xD060] =	vst v30  }
0xbf: {  	s15 =	simm.s32 $0x0;
	[bflag:$0x0] =	sbarrier.arrive $0xFFFF  }
.LBB2_4:
0xc0: {  	s7 =	sshll.u32 s15, $0x1  }
0xc1: {  	s16 =	sadd.s32 s6, s7  }
0xc2: {  	p2 =	sne.s32 s16, s8  }
.Ltmp1:
0xc3: {  	p1 =	seq.s32 s15, $0x0;
	(pc) =	sbr.rel @p2 .LBB2_8-.Ltmp1, $4  }
0xc4: {  	s9 =	simm.s32 @!p1 $0x3  }
0xc5: {  	_ =	swait.ge @!p1 [sflag:s9], $0x8000  }
0xc6: {  	[sflag:s9] =	ssyncset.done @!p1 $0x0  }
0xc7: {  	[sflag:s9] =	ssyncadd.s32 @!p1 $0xFFFF8000  }
0xc8: {  	v0 =	vld [tilespmem:$0x4080]  }
0xc9: {  	v1 =	vld [tilespmem:$0x4090]  }
0xca: {  	v2 =	vld [tilespmem:$0x40A0]  }
0xcb: {  	v3 =	vld [tilespmem:$0x40B0]  }
0xcc: {  	v4 =	vld [tilespmem:$0x40C0]  }
0xcd: {  	v5 =	vld [tilespmem:$0x40D0]  }
0xce: {  	v6 =	vld [tilespmem:$0x40E0]  }
0xcf: {  	v7 =	vld [tilespmem:$0x40F0]  }
0xd0: {  	v8 =	vld [tilespmem:$0x4180]  }
0xd1: {  	v9 =	vld [tilespmem:$0x4190]  }
0xd2: {  	v10 =	vld [tilespmem:$0x41A0]  }
0xd3: {  	v11 =	vld [tilespmem:$0x41B0]  }
0xd4: {  	v12 =	vld [tilespmem:$0x41C0]  }
0xd5: {  	v13 =	vld [tilespmem:$0x41D0]  }
0xd6: {  	v14 =	vld [tilespmem:$0x41E0]  }
0xd7: {  	v15 =	vld [tilespmem:$0x41F0]  }
0xd8: {  	v16 =	vld [tilespmem:$0x4280]  }
0xd9: {  	v17 =	vld [tilespmem:$0x4290]  }
0xda: {  	v18 =	vld [tilespmem:$0x42A0]  }
0xdb: {  	v19 =	vld [tilespmem:$0x42B0]  }
0xdc: {  	v20 =	vld [tilespmem:$0x42C0]  }
0xdd: {  	v21 =	vld [tilespmem:$0x42D0]  }
0xde: {  	v22 =	vld [tilespmem:$0x42E0]  }
0xdf: {  	v23 =	vld [tilespmem:$0x42F0]  }
0xe0: {  	v24 =	vld [tilespmem:$0x4380]  }
0xe1: {  	v25 =	vld [tilespmem:$0x4390]  }
0xe2: {  	v31 =	vld [tilespmem:$0x43F0]  }
0xe3: {  	v26 =	vld [tilespmem:$0x43A0]  }
0xe4: {  	v27 =	vld [tilespmem:$0x43B0];
	s7 =	simm.s32 $0x0  }
0xe5: {  	v28 =	vld [tilespmem:$0x43C0];
	s9 =	sand.u32 $0x7000, s7;
	s7 =	sand.u32 $0x380, s7  }
0xe6: {  	v29 =	vld [tilespmem:$0x43D0];
	s9 =	sor.u32 s7, s9  }
0xe7: {  	v30 =	vld [tilespmem:$0x43E0];
	[tilespmem:s9+$0xD070] =	vst v31  }
0xe8: {  	[tilespmem:s9+$0xC400] =	vst v0  }
0xe9: {  	[tilespmem:s9+$0xC410] =	vst v1  }
0xea: {  	[tilespmem:s9+$0xC420] =	vst v2  }
0xeb: {  	[tilespmem:s9+$0xC430] =	vst v3  }
0xec: {  	[tilespmem:s9+$0xC440] =	vst v4  }
0xed: {  	[tilespmem:s9+$0xC450] =	vst v5  }
0xee: {  	[tilespmem:s9+$0xC460] =	vst v6  }
0xef: {  	[tilespmem:s9+$0xC470] =	vst v7  }
0xf0: {  	[tilespmem:s9+$0xC800] =	vst v8  }
0xf1: {  	[tilespmem:s9+$0xC810] =	vst v9  }
0xf2: {  	[tilespmem:s9+$0xC820] =	vst v10  }
0xf3: {  	[tilespmem:s9+$0xC830] =	vst v11  }
0xf4: {  	[tilespmem:s9+$0xC840] =	vst v12  }
0xf5: {  	[tilespmem:s9+$0xC850] =	vst v13  }
0xf6: {  	[tilespmem:s9+$0xC860] =	vst v14  }
0xf7: {  	[tilespmem:s9+$0xC870] =	vst v15  }
0xf8: {  	[tilespmem:s9+$0xCC00] =	vst v16  }
0xf9: {  	[tilespmem:s9+$0xCC10] =	vst v17  }
0xfa: {  	[tilespmem:s9+$0xCC20] =	vst v18  }
0xfb: {  	[tilespmem:s9+$0xCC30] =	vst v19  }
0xfc: {  	[tilespmem:s9+$0xCC40] =	vst v20  }
0xfd: {  	[tilespmem:s9+$0xCC50] =	vst v21  }
0xfe: {  	[tilespmem:s9+$0xCC60] =	vst v22  }
0xff: {  	[tilespmem:s9+$0xCC70] =	vst v23  }
0x100: {  	[tilespmem:s9+$0xD000] =	vst v24  }
0x101: {  	[tilespmem:s9+$0xD010] =	vst v25  }
0x102: {  	[tilespmem:s9+$0xD020] =	vst v26  }
0x103: {  	[tilespmem:s9+$0xD030] =	vst v27  }
0x104: {  	s25 =	simm.s32 $0x200;
	s10 =	simm.s32 $0x80;
	[tilespmem:s9+$0xD040] =	vst v28  }
0x105: {  	s18 =	simm.s32 $0x400;
	s11 =	sand.u32 $0x7000, s25;
	s12 =	sand.u32 $0x380, s10;
	[tilespmem:s9+$0xD050] =	vst v29  }
.LBB2_6:
0x106: {  	p2 =	sne.s32 s18, $0x7E00;
	[tilespmem:s9+$0xD060] =	vst v30;
	s9 =	sor.u32 s12, s11  }
0x107: {  	[tilespmem:s9+$0xD070] =	vst v31  }
0x108: {  	[tilespmem:s9+$0xC400] =	vst v0  }
0x109: {  	[tilespmem:s9+$0xC410] =	vst v1  }
0x10a: {  	[tilespmem:s9+$0xC420] =	vst v2  }
0x10b: {  	[tilespmem:s9+$0xC430] =	vst v3  }
0x10c: {  	[tilespmem:s9+$0xC440] =	vst v4  }
0x10d: {  	[tilespmem:s9+$0xC450] =	vst v5  }
0x10e: {  	[tilespmem:s9+$0xC460] =	vst v6  }
0x10f: {  	[tilespmem:s9+$0xC470] =	vst v7  }
0x110: {  	[tilespmem:s9+$0xC800] =	vst v8  }
0x111: {  	[tilespmem:s9+$0xC810] =	vst v9  }
0x112: {  	[tilespmem:s9+$0xC820] =	vst v10  }
0x113: {  	[tilespmem:s9+$0xC830] =	vst v11  }
0x114: {  	[tilespmem:s9+$0xC840] =	vst v12  }
0x115: {  	[tilespmem:s9+$0xC850] =	vst v13  }
0x116: {  	[tilespmem:s9+$0xC860] =	vst v14  }
0x117: {  	[tilespmem:s9+$0xC870] =	vst v15  }
0x118: {  	[tilespmem:s9+$0xCC00] =	vst v16  }
0x119: {  	[tilespmem:s9+$0xCC10] =	vst v17  }
0x11a: {  	[tilespmem:s9+$0xCC20] =	vst v18  }
0x11b: {  	[tilespmem:s9+$0xCC30] =	vst v19  }
0x11c: {  	[tilespmem:s9+$0xCC40] =	vst v20  }
0x11d: {  	[tilespmem:s9+$0xCC50] =	vst v21  }
0x11e: {  	[tilespmem:s9+$0xCC60] =	vst v22  }
0x11f: {  	[tilespmem:s9+$0xCC70] =	vst v23  }
0x120: {  	[tilespmem:s9+$0xD000] =	vst v24  }
.Ltmp2:
0x121: {  	[tilespmem:s9+$0xD010] =	vst v25;
	(pc) =	sbr.rel @p2 .LBB2_6-.Ltmp2, $4  }
0x122: {  	[tilespmem:s9+$0xD020] =	vst v26  }
0x123: {  	[tilespmem:s9+$0xD030] =	vst v27  }
0x124: {  	s10 =	sadd.s32 $0x80, s10;
	[tilespmem:s9+$0xD040] =	vst v28  }
0x125: {  	s11 =	sand.u32 $0x7000, s18;
	s18 =	sadd.s32 $0x200, s18;
	s12 =	sand.u32 $0x380, s10;
	[tilespmem:s9+$0xD050] =	vst v29  }
0x126: {  	s7 =	sor.u32 s12, s11;
	[tilespmem:s9+$0xD060] =	vst v30  }
0x127: {  	[tilespmem:s7+$0xD070] =	vst v31  }
0x128: {  	[tilespmem:s7+$0xC400] =	vst v0  }
0x129: {  	[tilespmem:s7+$0xC410] =	vst v1  }
0x12a: {  	[tilespmem:s7+$0xC420] =	vst v2  }
0x12b: {  	[tilespmem:s7+$0xC430] =	vst v3  }
0x12c: {  	[tilespmem:s7+$0xC440] =	vst v4  }
0x12d: {  	[tilespmem:s7+$0xC450] =	vst v5  }
0x12e: {  	[tilespmem:s7+$0xC460] =	vst v6  }
0x12f: {  	[tilespmem:s7+$0xC470] =	vst v7  }
0x130: {  	[tilespmem:s7+$0xC800] =	vst v8  }
0x131: {  	[tilespmem:s7+$0xC810] =	vst v9  }
0x132: {  	[tilespmem:s7+$0xC820] =	vst v10  }
0x133: {  	[tilespmem:s7+$0xC830] =	vst v11  }
0x134: {  	[tilespmem:s7+$0xC840] =	vst v12  }
0x135: {  	[tilespmem:s7+$0xC850] =	vst v13  }
0x136: {  	[tilespmem:s7+$0xC860] =	vst v14  }
0x137: {  	[tilespmem:s7+$0xC870] =	vst v15  }
0x138: {  	[tilespmem:s7+$0xCC00] =	vst v16  }
0x139: {  	[tilespmem:s7+$0xCC10] =	vst v17  }
0x13a: {  	[tilespmem:s7+$0xCC20] =	vst v18  }
0x13b: {  	[tilespmem:s7+$0xCC30] =	vst v19  }
0x13c: {  	[tilespmem:s7+$0xCC40] =	vst v20  }
0x13d: {  	[tilespmem:s7+$0xCC50] =	vst v21  }
0x13e: {  	[tilespmem:s7+$0xCC60] =	vst v22  }
0x13f: {  	[tilespmem:s7+$0xCC70] =	vst v23  }
0x140: {  	[tilespmem:s7+$0xD000] =	vst v24  }
0x141: {  	[tilespmem:s7+$0xD010] =	vst v25  }
0x142: {  	[tilespmem:s7+$0xD020] =	vst v26  }
0x143: {  	[tilespmem:s7+$0xD030] =	vst v27  }
0x144: {  	[tilespmem:s7+$0xD040] =	vst v28  }
0x145: {  	[tilespmem:s7+$0xD050] =	vst v29  }
0x146: {  	[tilespmem:s7+$0xD060] =	vst v30  }
.LBB2_8:
0x147: {  	s10 =	sshll.u32 s16, $0xD  }
0x148: {  	s7 =	sadd.s32 s10, s13  }
0x149: {  	[hbm4b:s7+s29] =	stream.strided.scatter [tilespmem:s31], [sflag:$0x3], $0x8000, s30, s29, $0x38;
	[tilespmem:$0x14800] =	vst v63  }
0x14a: {  	s7 =	simm.s32 @!p1 $0x4  }
0x14b: {  	s21 =	sshll.u32 s2, $0x6;
	_ =	swait.ge @!p1 [sflag:s7], $0x800  }
0x14c: {  	s9 =	sshrl.u32 s5, $0x3;
	s11 =	sadd.s32 s10, s14;
	[sflag:s7] =	ssyncset.done @!p1 $0x0  }
0x14d: {  	s18 =	sor.u32 $0x1C04, s21;
	[sflag:s7] =	ssyncadd.s32 @!p1 $0xFFFFF800;
	s7 =	simm.s32 @!p1 $0x1  }
0x14e: {  	[hbm:s11@s0], [sflag:s18] =	dma.strided [spmem:s9@s1], $0x800, s3, $0x10   }
0x14f: {  	s24 =	sshll.u32 s16, $0x8;
	s12 =	sshll.u32 s16, $0x7;
	_ =	swait.ge @!p1 [sflag:s7], $0x4000  }
0x150: {  	s21 =	sand.u32 $0x3800, s24;
	s25 =	sand.u32 $0x300, s12;
	[sflag:s7] =	ssyncset.done @!p1 $0x0  }
0x151: {  	s12 =	sor.u32 s25, s21;
	[sflag:s7] =	ssyncadd.s32 @!p1 $0xFFFFC000  }
0x152: {  	v0 =	vld [tilespmem:s12+$0x0]  }
0x153: {  	v1 =	vld [tilespmem:s12+$0x10]  }
0x154: {  	v2 =	vld [tilespmem:s12+$0x20]  }
0x155: {  	v3 =	vld [tilespmem:s12+$0x30]  }
0x156: {  	v4 =	vld [tilespmem:s12+$0x40]  }
0x157: {  	v5 =	vld [tilespmem:s12+$0x50]  }
0x158: {  	v6 =	vld [tilespmem:s12+$0x60]  }
0x159: {  	v7 =	vld [tilespmem:s12+$0x70]  }
0x15a: {  	v8 =	vld [tilespmem:s12+$0x400]  }
0x15b: {  	v9 =	vld [tilespmem:s12+$0x410]  }
0x15c: {  	v15 =	vld [tilespmem:s12+$0x470]  }
0x15d: {  	v10 =	vld [tilespmem:s12+$0x420]  }
0x15e: {  	s24 =	simm.s32 $0x0;
	v11 =	vld [tilespmem:s12+$0x430]  }
0x15f: {  	s25 =	sand.u32 $0x3800, s24;
	s11 =	sand.u32 $0x380, s24;
	v12 =	vld [tilespmem:s12+$0x440]  }
0x160: {  	s24 =	sor.u32 s11, s25;
	v13 =	vld [tilespmem:s12+$0x450]  }
0x161: {  	v14 =	vld [tilespmem:s12+$0x460];
	[tilespmem:s24+$0x4870] =	vst v15  }
0x162: {  	[tilespmem:s24+$0x4400] =	vst v0  }
0x163: {  	[tilespmem:s24+$0x4410] =	vst v1  }
0x164: {  	[tilespmem:s24+$0x4420] =	vst v2  }
0x165: {  	[tilespmem:s24+$0x4430] =	vst v3  }
0x166: {  	[tilespmem:s24+$0x4440] =	vst v4  }
0x167: {  	[tilespmem:s24+$0x4450] =	vst v5  }
0x168: {  	[tilespmem:s24+$0x4460] =	vst v6  }
0x169: {  	[tilespmem:s24+$0x4470] =	vst v7  }
0x16a: {  	[tilespmem:s24+$0x4800] =	vst v8  }
0x16b: {  	[tilespmem:s24+$0x4810] =	vst v9  }
0x16c: {  	[tilespmem:s24+$0x4820] =	vst v10  }
0x16d: {  	[tilespmem:s24+$0x4830] =	vst v11  }
0x16e: {  	s16 =	sor.u32 $0x1, s16;
	s25 =	simm.s32 $0x80;
	s12 =	simm.s32 $0x100;
	[tilespmem:s24+$0x4840] =	vst v12  }
0x16f: {  	s11 =	simm.s32 $0x200;
	s7 =	sand.u32 $0x380, s25;
	s12 =	sand.u32 $0x3800, s12;
	[tilespmem:s24+$0x4850] =	vst v13  }
.LBB2_9:
0x170: {  	p2 =	sne.s32 s11, $0x3F00;
	[tilespmem:s24+$0x4860] =	vst v14;
	s24 =	sor.u32 s7, s12  }
0x171: {  	[tilespmem:s24+$0x4870] =	vst v15  }
0x172: {  	[tilespmem:s24+$0x4400] =	vst v0  }
0x173: {  	[tilespmem:s24+$0x4410] =	vst v1  }
0x174: {  	[tilespmem:s24+$0x4420] =	vst v2  }
0x175: {  	[tilespmem:s24+$0x4430] =	vst v3  }
0x176: {  	[tilespmem:s24+$0x4440] =	vst v4  }
0x177: {  	[tilespmem:s24+$0x4450] =	vst v5  }
0x178: {  	[tilespmem:s24+$0x4460] =	vst v6  }
0x179: {  	[tilespmem:s24+$0x4470] =	vst v7  }
0x17a: {  	[tilespmem:s24+$0x4800] =	vst v8  }
.Ltmp3:
0x17b: {  	[tilespmem:s24+$0x4810] =	vst v9;
	(pc) =	sbr.rel @p2 .LBB2_9-.Ltmp3, $4  }
0x17c: {  	[tilespmem:s24+$0x4820] =	vst v10  }
0x17d: {  	[tilespmem:s24+$0x4830] =	vst v11  }
0x17e: {  	s25 =	sadd.s32 $0x80, s25;
	[tilespmem:s24+$0x4840] =	vst v12  }
0x17f: {  	s12 =	sand.u32 $0x3800, s11;
	s11 =	sadd.s32 $0x100, s11;
	s7 =	sand.u32 $0x380, s25;
	[tilespmem:s24+$0x4850] =	vst v13  }
0x180: {  	s7 =	sor.u32 s7, s12;
	[tilespmem:s24+$0x4860] =	vst v14  }
0x181: {  	[tilespmem:s7+$0x4870] =	vst v15  }
0x182: {  	[tilespmem:s7+$0x4400] =	vst v0  }
0x183: {  	[tilespmem:s7+$0x4410] =	vst v1  }
0x184: {  	[tilespmem:s7+$0x4420] =	vst v2  }
0x185: {  	[tilespmem:s7+$0x4430] =	vst v3  }
0x186: {  	[tilespmem:s7+$0x4440] =	vst v4  }
0x187: {  	[tilespmem:s7+$0x4450] =	vst v5  }
0x188: {  	[tilespmem:s7+$0x4460] =	vst v6  }
0x189: {  	[tilespmem:s7+$0x4470] =	vst v7  }
0x18a: {  	[tilespmem:s7+$0x4800] =	vst v8  }
0x18b: {  	[tilespmem:s7+$0x4810] =	vst v9  }
0x18c: {  	[tilespmem:s7+$0x4820] =	vst v10  }
0x18d: {  	[tilespmem:s7+$0x4830] =	vst v11  }
0x18e: {  	[tilespmem:s7+$0x4840] =	vst v12  }
0x18f: {  	[tilespmem:s7+$0x4850] =	vst v13  }
0x190: {  	s10 =	sadd.s32 s4, s10;
	[tilespmem:s7+$0x4860] =	vst v14  }
0x191: {  	[hbm4b:s10+s17] =	stream.strided.scatter [tilespmem:s19], [sflag:$0x1], $0x4000, s30, s17, $0x38;
	[tilespmem:$0x14800] =	vst v63  }
0x192: {  	_ =	swait.ge [sflag:s20], $0x8000  }
0x193: {  	s10 =	sshll.u32 s16, $0xD;
	[sflag:s20] =	ssyncset.done $0x0  }
0x194: {  	s11 =	sadd.s32 s10, s13;
	[sflag:s20] =	ssyncadd.s32 $0xFFFF8000  }
0x195: {  	[hbm4b:s11+s29] =	stream.strided.scatter [tilespmem:s31], [sflag:$0x3], $0x8000, s30, s29, $0x38;
	[tilespmem:$0x14800] =	vst v63  }
0x196: {  	_ =	swait.ge [sflag:s22], $0x800  }
0x197: {  	[sflag:s22] =	ssyncset.done $0x0  }
0x198: {  	s7 =	simm.s32 @!p1 $0x2;
	s12 =	sadd.s32 s10, s14;
	[sflag:s22] =	ssyncadd.s32 $0xFFFFF800  }
0x199: {  	[hbm:s12@s0], [sflag:s18] =	dma.strided [spmem:s9@s1], $0x800, s3, $0x10   }
0x19a: {  	s18 =	sshll.u32 s16, $0x7;
	_ =	swait.ge @!p1 [sflag:s7], $0x4000  }
0x19b: {  	s9 =	sand.u32 $0x380, s18;
	[sflag:s7] =	ssyncset.done @!p1 $0x0  }
0x19c: {  	s21 =	sadd.s32 s9, s21;
	[sflag:s7] =	ssyncadd.s32 @!p1 $0xFFFFC000  }
0x19d: {  	v0 =	vld [tilespmem:s21+$0x0]  }
0x19e: {  	v1 =	vld [tilespmem:s21+$0x10]  }
0x19f: {  	v2 =	vld [tilespmem:s21+$0x20]  }
0x1a0: {  	v3 =	vld [tilespmem:s21+$0x30]  }
0x1a1: {  	v4 =	vld [tilespmem:s21+$0x40]  }
0x1a2: {  	v5 =	vld [tilespmem:s21+$0x50]  }
0x1a3: {  	v6 =	vld [tilespmem:s21+$0x60]  }
0x1a4: {  	v7 =	vld [tilespmem:s21+$0x70]  }
0x1a5: {  	v8 =	vld [tilespmem:s21+$0x400]  }
0x1a6: {  	v9 =	vld [tilespmem:s21+$0x410]  }
0x1a7: {  	v15 =	vld [tilespmem:s21+$0x470]  }
0x1a8: {  	v10 =	vld [tilespmem:s21+$0x420]  }
0x1a9: {  	s24 =	simm.s32 $0x0;
	v11 =	vld [tilespmem:s21+$0x430]  }
0x1aa: {  	s11 =	sand.u32 $0x3800, s24;
	s9 =	sand.u32 $0x380, s24;
	v12 =	vld [tilespmem:s21+$0x440]  }
0x1ab: {  	s9 =	sor.u32 s9, s11;
	v13 =	vld [tilespmem:s21+$0x450]  }
0x1ac: {  	v14 =	vld [tilespmem:s21+$0x460];
	[tilespmem:s9+$0x8870] =	vst v15  }
0x1ad: {  	[tilespmem:s9+$0x8400] =	vst v0  }
0x1ae: {  	[tilespmem:s9+$0x8410] =	vst v1  }
0x1af: {  	[tilespmem:s9+$0x8420] =	vst v2  }
0x1b0: {  	[tilespmem:s9+$0x8430] =	vst v3  }
0x1b1: {  	[tilespmem:s9+$0x8440] =	vst v4  }
0x1b2: {  	[tilespmem:s9+$0x8450] =	vst v5  }
0x1b3: {  	[tilespmem:s9+$0x8460] =	vst v6  }
0x1b4: {  	[tilespmem:s9+$0x8470] =	vst v7  }
0x1b5: {  	[tilespmem:s9+$0x8800] =	vst v8  }
0x1b6: {  	[tilespmem:s9+$0x8810] =	vst v9  }
0x1b7: {  	[tilespmem:s9+$0x8820] =	vst v10  }
0x1b8: {  	[tilespmem:s9+$0x8830] =	vst v11  }
0x1b9: {  	s25 =	simm.s32 $0x100;
	s16 =	simm.s32 $0x80;
	[tilespmem:s9+$0x8840] =	vst v12  }
0x1ba: {  	s12 =	sand.u32 $0x3800, s25;
	s7 =	sand.u32 $0x380, s16;
	s11 =	simm.s32 $0x200;
	[tilespmem:s9+$0x8850] =	vst v13  }
.LBB2_11:
0x1bb: {  	p1 =	sne.s32 s11, $0x3F00;
	[tilespmem:s9+$0x8860] =	vst v14;
	s9 =	sor.u32 s7, s12  }
0x1bc: {  	[tilespmem:s9+$0x8870] =	vst v15  }
0x1bd: {  	[tilespmem:s9+$0x8400] =	vst v0  }
0x1be: {  	[tilespmem:s9+$0x8410] =	vst v1  }
0x1bf: {  	[tilespmem:s9+$0x8420] =	vst v2  }
0x1c0: {  	[tilespmem:s9+$0x8430] =	vst v3  }
0x1c1: {  	[tilespmem:s9+$0x8440] =	vst v4  }
0x1c2: {  	[tilespmem:s9+$0x8450] =	vst v5  }
0x1c3: {  	[tilespmem:s9+$0x8460] =	vst v6  }
0x1c4: {  	[tilespmem:s9+$0x8470] =	vst v7  }
0x1c5: {  	[tilespmem:s9+$0x8800] =	vst v8  }
.Ltmp4:
0x1c6: {  	[tilespmem:s9+$0x8810] =	vst v9;
	(pc) =	sbr.rel @p1 .LBB2_11-.Ltmp4, $4  }
0x1c7: {  	[tilespmem:s9+$0x8820] =	vst v10  }
0x1c8: {  	[tilespmem:s9+$0x8830] =	vst v11  }
0x1c9: {  	s16 =	sadd.s32 $0x80, s16;
	[tilespmem:s9+$0x8840] =	vst v12  }
0x1ca: {  	s12 =	sand.u32 $0x3800, s11;
	s11 =	sadd.s32 $0x100, s11;
	s7 =	sand.u32 $0x380, s16;
	[tilespmem:s9+$0x8850] =	vst v13  }
0x1cb: {  	s7 =	sor.u32 s7, s12;
	[tilespmem:s9+$0x8860] =	vst v14  }
0x1cc: {  	[tilespmem:s7+$0x8870] =	vst v15  }
0x1cd: {  	[tilespmem:s7+$0x8400] =	vst v0  }
0x1ce: {  	[tilespmem:s7+$0x8410] =	vst v1  }
0x1cf: {  	[tilespmem:s7+$0x8420] =	vst v2  }
0x1d0: {  	[tilespmem:s7+$0x8430] =	vst v3  }
0x1d1: {  	[tilespmem:s7+$0x8440] =	vst v4  }
0x1d2: {  	[tilespmem:s7+$0x8450] =	vst v5  }
0x1d3: {  	[tilespmem:s7+$0x8460] =	vst v6  }
0x1d4: {  	[tilespmem:s7+$0x8470] =	vst v7  }
0x1d5: {  	[tilespmem:s7+$0x8800] =	vst v8  }
0x1d6: {  	s15 =	sadd.s32 $0x1, s15;
	[tilespmem:s7+$0x8810] =	vst v9  }
0x1d7: {  	[tilespmem:s7+$0x8820] =	vst v10;
	p1 =	sne.s32 s15, $0x11  }
.Ltmp5:
0x1d8: {  	[tilespmem:s7+$0x8830] =	vst v11;
	(pc) =	sbr.rel @p1 .LBB2_4-.Ltmp5, $4  }
0x1d9: {  	[tilespmem:s7+$0x8840] =	vst v12  }
0x1da: {  	[tilespmem:s7+$0x8850] =	vst v13  }
0x1db: {  	s25 =	sadd.s32 s4, s10;
	[tilespmem:s7+$0x8860] =	vst v14  }
0x1dc: {  	[hbm4b:s25+s17] =	stream.strided.scatter [tilespmem:s23], [sflag:$0x2], $0x4000, s30, s17, $0x38;
	[tilespmem:$0x14800] =	vst v63  }
0x1dd: {  	_ =	swait.ge [sflag:s20], $0x8000  }
0x1de: {  	[sflag:s20] =	ssyncset.done $0x0  }
0x1df: {  	[sflag:s20] =	ssyncadd.s32 $0xFFFF8000  }
0x1e0: {  	_ =	swait.ge [sflag:s22], $0x800  }
0x1e1: {  	[sflag:s22] =	ssyncset.done $0x0  }
0x1e2: {  	s7 =	simm.s32 $0x1;
	[sflag:s22] =	ssyncadd.s32 $0xFFFFF800  }
0x1e3: {  	_ =	swait.ge [sflag:s7], $0x4000  }
0x1e4: {  	[sflag:s7] =	ssyncset.done $0x0  }
0x1e5: {  	s9 =	simm.s32 $0x2;
	[sflag:s7] =	ssyncadd.s32 $0xFFFFC000  }
0x1e6: {  	_ =	swait.ge [sflag:s9], $0x4000  }
0x1e7: {  	s26 =	sadd.s32 $0x1, s26;
	s25 =	rddreg [dreg:$0xb]  }
0x1e8: {  	p1 =	sne.s32 s26, s25  }
.Ltmp6:
0x1e9: {  	_ = 	snop;
	(pc) =	sbr.rel @p1 .LBB2_1-.Ltmp6, $3  }
0x1ea: {  	_ =	sdelay $0x1  }
0x1eb: {  	[sflag:s9] =	ssyncset.done $0x0  }
0x1ec: {  	[sflag:s9] =	ssyncadd.s32 $0xFFFFC000  }
0x1ed: {  	_ =	sfence.sel $0x180000  }
0x1ee: {  	[bflag:$0x0] =	sbarrier.arrive $0xFFFF  }
0x1ef: {  	_ =	strace $0x90000047  }
0x1f0: {  	[bflag:$0x2] =	sbarrier.arrive $0xFFFF  }
0x1f1: {  	s0 =	rddreg [dreg:$0x6]  }
0x1f2: {  	s0 =	sadd.s32 @!p0 $0x100000, s0  }
0x1f3: {  	[sflag:s0] =	ssyncadd.tile.s32 @!p0 $0x1;
	_ =	shalt  }
.Lfunc_end2:
_tile_overlayer_lowered:
.L_overlay_start_2:
0x1f4: {  	(tag) =	ssettag $0x2  }
0x1f5: {  	s0 =	rddreg [dreg:$0x0];
	s2 =	stileid.u32  }
0x1f6: {  	s1 =	rddreg [dreg:$0x1];
	p0 =	sne.s32 s2, $0x0  }
0x1f7: {  	s3 =	rddreg [dreg:$0x2];
	[bflag:$0x3] =	sbarrier.arrive $0xFFFF;
	s2 =	simm.s32 @!p0 $0x1C06  }
0x1f8: {  	[timem:s3], [sflag:s2] =	dma.local @!p0 [hbm:s0], s1  }
0x1f9: {  	s0 =	simm.s32 @!p0 $0x6  }
0x1fa: {  	_ =	swait.ge @!p0 [sflag:s0], s1  }
0x1fb: {  	s1 =	ssub.s32 @!p0 $0x0, s1;
	[sflag:s0] =	ssyncset.done @!p0 $0x0  }
0x1fc: {  	[sflag:s0] =	ssyncadd.s32 @!p0 s1  }
0x1fd: {  	[bflag:$0x3] =	sbarrier.arrive $0xFFFF  }
0x1fe: {  	_ =	shalt  }

</sc_bundles>
